<compile_context>
chip_gen: v7x
topology: tpu7x:2x2x1
jax: 0.10.2.dev20260603
libtpu: 0.0.44.dev20260713+nightly
codegen_flags: <defaults>
</compile_context>

<pallas_src>
import functools

import jax
import jax.numpy as jnp
from jax import lax
from jax.experimental import pallas as pl
from jax.experimental.pallas import tpu as pltpu
from jax.experimental.pallas import tpu_sc as plsc

_B, _N, _F = 4096, 64, 32
_OBS, _H, _NACT = 64, 64, 32
_BB = 128

_DOT = functools.partial(jnp.dot, preferred_element_type=jnp.float32)


def _sc_gather_pairs(adj2, aid):
    info = plsc.get_sparse_core_info()
    nc, ns, nl = info.num_cores, info.num_subcores, info.num_lanes
    nw = nc * ns
    bpw = _B // nw
    rps = _N * _N // 128

    @functools.partial(
        pl.kernel,
        mesh=plsc.VectorSubcoreMesh(core_axis_name="c", subcore_axis_name="s"),
        out_type=jax.ShapeDtypeStruct((_B, 128), jnp.float32),
        scratch_types=[
            pltpu.VMEM((bpw,), jnp.int32),
            pltpu.VMEM((bpw,), jnp.int32),
            pltpu.VMEM((bpw, 128), jnp.float32),
            pltpu.SemaphoreType.DMA,
        ],
    )
    def k(adj_hbm, aid_hbm, out_hbm, aid_v, idx_v, rows_v, sem):
        wid = lax.axis_index("s") * nc + lax.axis_index("c")
        base = wid * bpw
        pltpu.sync_copy(aid_hbm.at[pl.ds(base, bpw)], aid_v)
        for j in range(bpw // nl):
            av = aid_v[pl.ds(j * nl, nl)]
            row = ((lax.iota(jnp.int32, nl) + (base + j * nl)) * rps
                   + lax.shift_right_logical(av, 1))
            idx_v[pl.ds(j * nl, nl)] = row
        pltpu.async_copy(adj_hbm.at[idx_v], rows_v, sem).wait()
        pltpu.sync_copy(rows_v, out_hbm.at[pl.ds(base, bpw)])

    return k(adj2, aid)


def _fwd_body(obs_r, nob_r, slab_r, aid_r, w1_r, b1_r, w2_r, b2_r,
              wm1_r, bm1_r, wm2_r, bm2_r, wa_r, ba_r, act_o, alp_o):
    pair = slab_r[:]
    odd = (aid_r[:] % 2) == 1
    arow = jnp.where(odd, pair[:, _N:], pair[:, :_N])
    h = jnp.maximum(_DOT(nob_r[:], w1_r[:]) + b1_r[:], 0.0)
    hb = h.astype(jnp.bfloat16).astype(jnp.float32)
    hm = hb.reshape(_BB, _N, _H) * arow[:, :, None]
    msum = jnp.zeros((_BB, _H), jnp.float32)
    for n in range(_N):
        msum = msum + hm[:, n, :]
    nbd = jnp.maximum(_DOT(msum, w2_r[:]) + b2_r[:], 0.0)
    feats = jnp.concatenate([obs_r[:], nbd], axis=1)
    x = jnp.maximum(_DOT(feats, wm1_r[:]) + bm1_r[:], 0.0)
    x = jnp.maximum(_DOT(x, wm2_r[:]) + bm2_r[:], 0.0)
    logits = _DOT(x, wa_r[:]) + ba_r[:]
    m = jnp.max(logits, axis=1, keepdims=True)
    alp_o[:] = -jnp.log(jnp.sum(jnp.exp(logits - m), axis=1, keepdims=True))
    ii = lax.broadcasted_iota(jnp.int32, logits.shape, 1)
    act_o[:] = jnp.min(jnp.where(logits == m, ii, _NACT), axis=1, keepdims=True)


def _tc_forward(obs, nob, slab, aid, W1, b1, W2, b2, Wm1, bm1, Wm2, bm2, Wa, ba):
    grid = (_B // _BB,)
    full = lambda shape: pl.BlockSpec(shape, lambda i: (0, 0))
    return pl.pallas_call(
        _fwd_body,
        grid=grid,
        in_specs=[
            pl.BlockSpec((_BB, _OBS), lambda i: (i, 0)),
            pl.BlockSpec((_BB * _N, _F), lambda i: (i, 0)),
            pl.BlockSpec((_BB, 128), lambda i: (i, 0)),
            pl.BlockSpec((_BB, 1), lambda i: (i, 0)),
            full((_F, _H)), full((1, _H)),
            full((_H, _H)), full((1, _H)),
            full((_OBS + _H, _H)), full((1, _H)),
            full((_H, _H)), full((1, _H)),
            full((_H, _NACT)), full((1, _NACT)),
        ],
        out_specs=[
            pl.BlockSpec((_BB, 1), lambda i: (i, 0)),
            pl.BlockSpec((_BB, 1), lambda i: (i, 0)),
        ],
        out_shape=[
            jax.ShapeDtypeStruct((_B, 1), jnp.int32),
            jax.ShapeDtypeStruct((_B, 1), jnp.float32),
        ],
        compiler_params=pltpu.CompilerParams(
            dimension_semantics=("parallel",)),
    )(obs, nob, slab, aid, W1, b1, W2, b2, Wm1, bm1, Wm2, bm2, Wa, ba)


def kernel(obs, node_obs, adj, agent_id, rnn_states, masks,
           W_gnn1, b_gnn1, W_gnn2, b_gnn2, W_mlp1, b_mlp1, W_mlp2, b_mlp2,
           W_act, b_act):
    aid = agent_id.reshape(_B).astype(jnp.int32)
    slab = _sc_gather_pairs(adj.reshape(_B * _N * _N // 128, 128), aid)
    rnd = lambda w: w.astype(jnp.bfloat16).astype(jnp.float32)
    actions, alp = _tc_forward(
        obs, node_obs.reshape(_B * _N, _F), slab, aid.reshape(_B, 1),
        rnd(W_gnn1), b_gnn1.reshape(1, _H), rnd(W_gnn2), b_gnn2.reshape(1, _H),
        rnd(W_mlp1), b_mlp1.reshape(1, _H), rnd(W_mlp2), b_mlp2.reshape(1, _H),
        rnd(W_act), b_act.reshape(1, _NACT))
    return actions, alp, rnn_states

# --- scband reference (transcript-rebuilt; emitter-appended) ---
"""Pipeline reference for scband-gr-actor-89575837925450 (READ-ONLY COPY).

The authoritative reference and input builder live on the scoring server;
editing this copy changes nothing except your own understanding.
"""

import jax, jax.numpy as jnp
import numpy as np

B = 4096; N = 64; NODE_F = 32; OBS_D = 64; H = 64; NACT = 32; RN = 1

def _init_linear(key, fan_in, fan_out):
    k1, k2 = jax.random.split(key)
    lim = 1.0 / np.sqrt(fan_in)
    W = jax.random.uniform(k1, (fan_in, fan_out), minval=-lim, maxval=lim, dtype=jnp.float32)
    b = jax.random.uniform(k2, (fan_out,), minval=-lim, maxval=lim, dtype=jnp.float32)
    return W, b

def setup_inputs(seed: int = 0):
    key = jax.random.key(seed)
    ks = jax.random.split(key, 10)
    inp = {}
    inp["obs"] = jax.random.normal(ks[0], (B, OBS_D), dtype=jnp.float32)
    inp["node_obs"] = jax.random.uniform(ks[1], (B, N, NODE_F), dtype=jnp.float32)
    inp["adj"] = (jax.random.uniform(ks[2], (B, N, N), dtype=jnp.float32) < 0.25).astype(jnp.float32)
    inp["agent_id"] = jax.random.randint(ks[3], (B, 1), 0, N)
    inp["rnn_states"] = jnp.zeros((B, RN, H), dtype=jnp.float32)
    inp["masks"] = jnp.ones((B, 1), dtype=jnp.float32)
    inp["W_gnn1"], inp["b_gnn1"] = _init_linear(ks[4], NODE_F, H)
    inp["W_gnn2"], inp["b_gnn2"] = _init_linear(ks[5], H, H)
    inp["W_mlp1"], inp["b_mlp1"] = _init_linear(ks[6], OBS_D + H, H)
    inp["W_mlp2"], inp["b_mlp2"] = _init_linear(ks[7], H, H)
    inp["W_act"], inp["b_act"] = _init_linear(ks[8], H, NACT)
    return inp

def _coverage_ranks(node_obs):
    # vectorized version of GR_Actor.calculate_coverage_ranks (bookkeeping; non-differentiable)
    no = jax.lax.stop_gradient(node_obs)
    flag = (no[..., -1] == 2.0).astype(jnp.float32)  # [B,N] goal indicator per node
    pos = no[..., :2]
    diff = pos[:, :, None, :] - pos[:, None, :, :]
    dist = jnp.sqrt(jnp.sum(diff * diff, axis=-1) + 1e-12)  # [B,N,N]
    num_goals = jnp.sum(flag, axis=-1, keepdims=True)  # [B,1]
    avg_dist = jnp.where(num_goals > 0,
                         jnp.sum(dist * flag[:, None, :], axis=-1) / jnp.maximum(num_goals, 1.0),
                         jnp.inf)
    score = flag - 0.1 * avg_dist
    order = jnp.argsort(-score, axis=-1)
    ranks = jnp.argsort(order, axis=-1)
    return ranks

def _forward(obs, node_obs, adj, agent_id, W_gnn1, b_gnn1, W_gnn2, b_gnn2, W_mlp1, b_mlp1, W_mlp2, b_mlp2, W_act, b_act):
    # GNNBase: 2-layer dense message passing over batched adjacency
    h = jax.nn.relu(jnp.einsum('bnf,fh->bnh', node_obs, W_gnn1) + b_gnn1)
    m = jnp.einsum('bij,bjh->bih', adj, h)
    h2 = jax.nn.relu(jnp.einsum('bnh,hk->bnk', m, W_gnn2) + b_gnn2)
    aid = agent_id[:, 0]
    nbd = h2[jnp.arange(h2.shape[0]), aid]  # gather ego-agent node feature
    feats = jnp.concatenate([obs, nbd], axis=1)
    # MLPBase
    x = jax.nn.relu(feats @ W_mlp1 + b_mlp1)
    x = jax.nn.relu(x @ W_mlp2 + b_mlp2)
    # ACTLayer (discrete, deterministic): masked logits -> argmax + log-prob
    logits = x @ W_act + b_act
    avail = jnp.ones((logits.shape[0], logits.shape[1]), dtype=jnp.float32)
    logits = jnp.where(avail > 0, logits, -1e10)
    logp = jax.nn.log_softmax(logits, axis=-1)
    actions = jnp.argmax(logits, axis=-1, keepdims=True)
    alp = jnp.take_along_axis(logp, actions, axis=1)
    return actions, alp

def reference(obs, node_obs, adj, agent_id, rnn_states, masks, W_gnn1, b_gnn1, W_gnn2, b_gnn2, W_mlp1, b_mlp1, W_mlp2, b_mlp2, W_act, b_act):
    _ = _coverage_ranks(node_obs)
    actions, alp = _forward(obs, node_obs, adj, agent_id, W_gnn1, b_gnn1, W_gnn2, b_gnn2, W_mlp1, b_mlp1, W_mlp2, b_mlp2, W_act, b_act)
    # no recurrent policy: rnn_states passed through unchanged
    return actions, alp, rnn_states

if __name__ == "__main__":
    import jax
    _d = setup_inputs()
    print(jax.jit(kernel)(*tuple(_d.values())))

</pallas_src>

<mosaic_0001>
#map = affine_map<(d0, d1) -> (0, 0)>
#map1 = affine_map<(d0, d1) -> (0)>
module attributes {stable_mosaic.version = 14 : i64} {
  func.func @k(%arg0: i32, %arg1: i32, %arg2: memref<131072x128xf32, #tpu.memory_space<hbm>>, %arg3: memref<4096xi32, #tpu.memory_space<hbm>>, %arg4: memref<4096x128xf32, #tpu.memory_space<hbm>>, %arg5: memref<128xi32, #tpu.memory_space<vmem>>, %arg6: memref<128xi32, #tpu.memory_space<vmem>>, %arg7: memref<128x128xf32, #tpu.memory_space<vmem>>, %arg8: memref<!tpu.dma_semaphore, #tpu.memory_space<semaphore_mem>>) attributes {dimension_semantics = [#tpu.dimension_semantics<core_parallel>, #tpu.dimension_semantics<subcore_parallel>], iteration_bounds = array<i64: 2, 16>, scalar_prefetch = 0 : i64, scratch_operands = 4 : i64, tpu.core_type = #tpu.core_type<sc_vector_subcore>, window_params = [{transform_indices = #map}, {transform_indices = #map1}, {transform_indices = #map}]} {
    %mul3A = arith.constant 2 : i32
    %mul3A_0 = arith.muli %arg1, %mul3A : i32
    %add3A = arith.addi %mul3A_0, %arg0 : i32
    %mul3A_1 = arith.constant 128 : i32
    %mul3A_2 = arith.muli %add3A, %mul3A_1 : i32
    "tpu.region"() ({
      %run_scoped3A = tpu.sem_alloc : memref<!tpu.dma_semaphore, #tpu.memory_space<semaphore_mem>>
      %dma_start3A_155 = tpu.memref_slice %arg3[%mul3A_2] : memref<4096xi32, #tpu.memory_space<hbm>> -> memref<128xi32, #tpu.memory_space<hbm>>
      %dma_start3A_156 = tpu.memref_slice %arg3[%mul3A_2] : memref<4096xi32, #tpu.memory_space<hbm>> -> memref<128xi32, #tpu.memory_space<hbm>>
      tpu.enqueue_dma source(%dma_start3A_156 : memref<128xi32, #tpu.memory_space<hbm>>) target(%arg5 : memref<128xi32, #tpu.memory_space<vmem>>) target_semaphore(%run_scoped3A : memref<!tpu.dma_semaphore, #tpu.memory_space<semaphore_mem>>)
      %dma_wait3A_157 = tpu.memref_slice %arg3[%mul3A_2] : memref<4096xi32, #tpu.memory_space<hbm>> -> memref<128xi32, #tpu.memory_space<hbm>>
      %dma_wait3A_158 = tpu.memref_slice %arg3[%mul3A_2] : memref<4096xi32, #tpu.memory_space<hbm>> -> memref<128xi32, #tpu.memory_space<hbm>>
      tpu.wait_dma2 semaphore(%run_scoped3A : memref<!tpu.dma_semaphore, #tpu.memory_space<semaphore_mem>>) src(%dma_wait3A_158 : memref<128xi32, #tpu.memory_space<hbm>>) dst(%arg5 : memref<128xi32, #tpu.memory_space<vmem>>)
      tpu.yield
    }) : () -> ()
    %get3A = arith.constant 0 : index
    %get3A_3 = tpu.vector_load %arg5[%get3A] {strides = array<i32>} : memref<128xi32, #tpu.memory_space<vmem>>, vector<16xi32>,
    %get3A_4 = vector.shape_cast %get3A_3 : vector<16xi32> to vector<16xi32>
    %iota3A = tpu.iota {dimensions = array<i32: 0>} : vector<16xi32>
    %add3A_5 = arith.constant 0 : i32
    %add3A_6 = arith.addi %mul3A_2, %add3A_5 : i32
    %add3A_7 = vector.broadcast %add3A_6 : i32 to vector<16xi32>
    %add3A_8 = arith.addi %iota3A, %add3A_7 : vector<16xi32>
    %mul3A_9 = arith.constant 32 : i32
    %mul3A_10 = vector.broadcast %mul3A_9 : i32 to vector<16xi32>
    %mul3A_11 = arith.muli %add3A_8, %mul3A_10 : vector<16xi32>
    %shift_right_logical3A = arith.constant 1 : i32
    %shift_right_logical3A_12 = vector.broadcast %shift_right_logical3A : i32 to vector<16xi32>
    %shift_right_logical3A_13 = arith.shrui %get3A_4, %shift_right_logical3A_12 : vector<16xi32>
    %add3A_14 = arith.addi %mul3A_11, %shift_right_logical3A_13 : vector<16xi32>
    %swap3A = arith.constant 0 : index
    %swap3A_15 = tpu.vector_load %arg6[%swap3A] {strides = array<i32>} : memref<128xi32, #tpu.memory_space<vmem>>, vector<16xi32>,
    %swap3A_16 = vector.shape_cast %swap3A_15 : vector<16xi32> to vector<16xi32>
    %swap3A_17 = vector.shape_cast %add3A_14 : vector<16xi32> to vector<16xi32>
    tpu.vector_store %arg6[%swap3A], %swap3A_17 {strides = array<i32>} : memref<128xi32, #tpu.memory_space<vmem>>, vector<16xi32>,
    %get3A_18 = arith.constant 16 : index
    %get3A_19 = tpu.vector_load %arg5[%get3A_18] {strides = array<i32>} : memref<128xi32, #tpu.memory_space<vmem>>, vector<16xi32>,
    %get3A_20 = vector.shape_cast %get3A_19 : vector<16xi32> to vector<16xi32>
    %iota3A_21 = tpu.iota {dimensions = array<i32: 0>} : vector<16xi32>
    %add3A_22 = arith.constant 16 : i32
    %add3A_23 = arith.addi %mul3A_2, %add3A_22 : i32
    %add3A_24 = vector.broadcast %add3A_23 : i32 to vector<16xi32>
    %add3A_25 = arith.addi %iota3A_21, %add3A_24 : vector<16xi32>
    %mul3A_26 = arith.constant 32 : i32
    %mul3A_27 = vector.broadcast %mul3A_26 : i32 to vector<16xi32>
    %mul3A_28 = arith.muli %add3A_25, %mul3A_27 : vector<16xi32>
    %shift_right_logical3A_29 = arith.constant 1 : i32
    %shift_right_logical3A_30 = vector.broadcast %shift_right_logical3A_29 : i32 to vector<16xi32>
    %shift_right_logical3A_31 = arith.shrui %get3A_20, %shift_right_logical3A_30 : vector<16xi32>
    %add3A_32 = arith.addi %mul3A_28, %shift_right_logical3A_31 : vector<16xi32>
    %swap3A_33 = arith.constant 16 : index
    %swap3A_34 = tpu.vector_load %arg6[%swap3A_33] {strides = array<i32>} : memref<128xi32, #tpu.memory_space<vmem>>, vector<16xi32>,
    %swap3A_35 = vector.shape_cast %swap3A_34 : vector<16xi32> to vector<16xi32>
    %swap3A_36 = vector.shape_cast %add3A_32 : vector<16xi32> to vector<16xi32>
    tpu.vector_store %arg6[%swap3A_33], %swap3A_36 {strides = array<i32>} : memref<128xi32, #tpu.memory_space<vmem>>, vector<16xi32>,
    %get3A_37 = arith.constant 32 : index
    %get3A_38 = tpu.vector_load %arg5[%get3A_37] {strides = array<i32>} : memref<128xi32, #tpu.memory_space<vmem>>, vector<16xi32>,
    %get3A_39 = vector.shape_cast %get3A_38 : vector<16xi32> to vector<16xi32>
    %iota3A_40 = tpu.iota {dimensions = array<i32: 0>} : vector<16xi32>
    %add3A_41 = arith.constant 32 : i32
    %add3A_42 = arith.addi %mul3A_2, %add3A_41 : i32
    %add3A_43 = vector.broadcast %add3A_42 : i32 to vector<16xi32>
    %add3A_44 = arith.addi %iota3A_40, %add3A_43 : vector<16xi32>
    %mul3A_45 = arith.constant 32 : i32
    %mul3A_46 = vector.broadcast %mul3A_45 : i32 to vector<16xi32>
    %mul3A_47 = arith.muli %add3A_44, %mul3A_46 : vector<16xi32>
    %shift_right_logical3A_48 = arith.constant 1 : i32
    %shift_right_logical3A_49 = vector.broadcast %shift_right_logical3A_48 : i32 to vector<16xi32>
    %shift_right_logical3A_50 = arith.shrui %get3A_39, %shift_right_logical3A_49 : vector<16xi32>
    %add3A_51 = arith.addi %mul3A_47, %shift_right_logical3A_50 : vector<16xi32>
    %swap3A_52 = arith.constant 32 : index
    %swap3A_53 = tpu.vector_load %arg6[%swap3A_52] {strides = array<i32>} : memref<128xi32, #tpu.memory_space<vmem>>, vector<16xi32>,
    %swap3A_54 = vector.shape_cast %swap3A_53 : vector<16xi32> to vector<16xi32>
    %swap3A_55 = vector.shape_cast %add3A_51 : vector<16xi32> to vector<16xi32>
    tpu.vector_store %arg6[%swap3A_52], %swap3A_55 {strides = array<i32>} : memref<128xi32, #tpu.memory_space<vmem>>, vector<16xi32>,
    %get3A_56 = arith.constant 48 : index
    %get3A_57 = tpu.vector_load %arg5[%get3A_56] {strides = array<i32>} : memref<128xi32, #tpu.memory_space<vmem>>, vector<16xi32>,
    %get3A_58 = vector.shape_cast %get3A_57 : vector<16xi32> to vector<16xi32>
    %iota3A_59 = tpu.iota {dimensions = array<i32: 0>} : vector<16xi32>
    %add3A_60 = arith.constant 48 : i32
    %add3A_61 = arith.addi %mul3A_2, %add3A_60 : i32
    %add3A_62 = vector.broadcast %add3A_61 : i32 to vector<16xi32>
    %add3A_63 = arith.addi %iota3A_59, %add3A_62 : vector<16xi32>
    %mul3A_64 = arith.constant 32 : i32
    %mul3A_65 = vector.broadcast %mul3A_64 : i32 to vector<16xi32>
    %mul3A_66 = arith.muli %add3A_63, %mul3A_65 : vector<16xi32>
    %shift_right_logical3A_67 = arith.constant 1 : i32
    %shift_right_logical3A_68 = vector.broadcast %shift_right_logical3A_67 : i32 to vector<16xi32>
    %shift_right_logical3A_69 = arith.shrui %get3A_58, %shift_right_logical3A_68 : vector<16xi32>
    %add3A_70 = arith.addi %mul3A_66, %shift_right_logical3A_69 : vector<16xi32>
    %swap3A_71 = arith.constant 48 : index
    %swap3A_72 = tpu.vector_load %arg6[%swap3A_71] {strides = array<i32>} : memref<128xi32, #tpu.memory_space<vmem>>, vector<16xi32>,
    %swap3A_73 = vector.shape_cast %swap3A_72 : vector<16xi32> to vector<16xi32>
    %swap3A_74 = vector.shape_cast %add3A_70 : vector<16xi32> to vector<16xi32>
    tpu.vector_store %arg6[%swap3A_71], %swap3A_74 {strides = array<i32>} : memref<128xi32, #tpu.memory_space<vmem>>, vector<16xi32>,
    %get3A_75 = arith.constant 64 : index
    %get3A_76 = tpu.vector_load %arg5[%get3A_75] {strides = array<i32>} : memref<128xi32, #tpu.memory_space<vmem>>, vector<16xi32>,
    %get3A_77 = vector.shape_cast %get3A_76 : vector<16xi32> to vector<16xi32>
    %iota3A_78 = tpu.iota {dimensions = array<i32: 0>} : vector<16xi32>
    %add3A_79 = arith.constant 64 : i32
    %add3A_80 = arith.addi %mul3A_2, %add3A_79 : i32
    %add3A_81 = vector.broadcast %add3A_80 : i32 to vector<16xi32>
    %add3A_82 = arith.addi %iota3A_78, %add3A_81 : vector<16xi32>
    %mul3A_83 = arith.constant 32 : i32
    %mul3A_84 = vector.broadcast %mul3A_83 : i32 to vector<16xi32>
    %mul3A_85 = arith.muli %add3A_82, %mul3A_84 : vector<16xi32>
    %shift_right_logical3A_86 = arith.constant 1 : i32
    %shift_right_logical3A_87 = vector.broadcast %shift_right_logical3A_86 : i32 to vector<16xi32>
    %shift_right_logical3A_88 = arith.shrui %get3A_77, %shift_right_logical3A_87 : vector<16xi32>
    %add3A_89 = arith.addi %mul3A_85, %shift_right_logical3A_88 : vector<16xi32>
    %swap3A_90 = arith.constant 64 : index
    %swap3A_91 = tpu.vector_load %arg6[%swap3A_90] {strides = array<i32>} : memref<128xi32, #tpu.memory_space<vmem>>, vector<16xi32>,
    %swap3A_92 = vector.shape_cast %swap3A_91 : vector<16xi32> to vector<16xi32>
    %swap3A_93 = vector.shape_cast %add3A_89 : vector<16xi32> to vector<16xi32>
    tpu.vector_store %arg6[%swap3A_90], %swap3A_93 {strides = array<i32>} : memref<128xi32, #tpu.memory_space<vmem>>, vector<16xi32>,
    %get3A_94 = arith.constant 80 : index
    %get3A_95 = tpu.vector_load %arg5[%get3A_94] {strides = array<i32>} : memref<128xi32, #tpu.memory_space<vmem>>, vector<16xi32>,
    %get3A_96 = vector.shape_cast %get3A_95 : vector<16xi32> to vector<16xi32>
    %iota3A_97 = tpu.iota {dimensions = array<i32: 0>} : vector<16xi32>
    %add3A_98 = arith.constant 80 : i32
    %add3A_99 = arith.addi %mul3A_2, %add3A_98 : i32
    %add3A_100 = vector.broadcast %add3A_99 : i32 to vector<16xi32>
    %add3A_101 = arith.addi %iota3A_97, %add3A_100 : vector<16xi32>
    %mul3A_102 = arith.constant 32 : i32
    %mul3A_103 = vector.broadcast %mul3A_102 : i32 to vector<16xi32>
    %mul3A_104 = arith.muli %add3A_101, %mul3A_103 : vector<16xi32>
    %shift_right_logical3A_105 = arith.constant 1 : i32
    %shift_right_logical3A_106 = vector.broadcast %shift_right_logical3A_105 : i32 to vector<16xi32>
    %shift_right_logical3A_107 = arith.shrui %get3A_96, %shift_right_logical3A_106 : vector<16xi32>
    %add3A_108 = arith.addi %mul3A_104, %shift_right_logical3A_107 : vector<16xi32>
    %swap3A_109 = arith.constant 80 : index
    %swap3A_110 = tpu.vector_load %arg6[%swap3A_109] {strides = array<i32>} : memref<128xi32, #tpu.memory_space<vmem>>, vector<16xi32>,
    %swap3A_111 = vector.shape_cast %swap3A_110 : vector<16xi32> to vector<16xi32>
    %swap3A_112 = vector.shape_cast %add3A_108 : vector<16xi32> to vector<16xi32>
    tpu.vector_store %arg6[%swap3A_109], %swap3A_112 {strides = array<i32>} : memref<128xi32, #tpu.memory_space<vmem>>, vector<16xi32>,
    %get3A_113 = arith.constant 96 : index
    %get3A_114 = tpu.vector_load %arg5[%get3A_113] {strides = array<i32>} : memref<128xi32, #tpu.memory_space<vmem>>, vector<16xi32>,
    %get3A_115 = vector.shape_cast %get3A_114 : vector<16xi32> to vector<16xi32>
    %iota3A_116 = tpu.iota {dimensions = array<i32: 0>} : vector<16xi32>
    %add3A_117 = arith.constant 96 : i32
    %add3A_118 = arith.addi %mul3A_2, %add3A_117 : i32
    %add3A_119 = vector.broadcast %add3A_118 : i32 to vector<16xi32>
    %add3A_120 = arith.addi %iota3A_116, %add3A_119 : vector<16xi32>
    %mul3A_121 = arith.constant 32 : i32
    %mul3A_122 = vector.broadcast %mul3A_121 : i32 to vector<16xi32>
    %mul3A_123 = arith.muli %add3A_120, %mul3A_122 : vector<16xi32>
    %shift_right_logical3A_124 = arith.constant 1 : i32
    %shift_right_logical3A_125 = vector.broadcast %shift_right_logical3A_124 : i32 to vector<16xi32>
    %shift_right_logical3A_126 = arith.shrui %get3A_115, %shift_right_logical3A_125 : vector<16xi32>
    %add3A_127 = arith.addi %mul3A_123, %shift_right_logical3A_126 : vector<16xi32>
    %swap3A_128 = arith.constant 96 : index
    %swap3A_129 = tpu.vector_load %arg6[%swap3A_128] {strides = array<i32>} : memref<128xi32, #tpu.memory_space<vmem>>, vector<16xi32>,
    %swap3A_130 = vector.shape_cast %swap3A_129 : vector<16xi32> to vector<16xi32>
    %swap3A_131 = vector.shape_cast %add3A_127 : vector<16xi32> to vector<16xi32>
    tpu.vector_store %arg6[%swap3A_128], %swap3A_131 {strides = array<i32>} : memref<128xi32, #tpu.memory_space<vmem>>, vector<16xi32>,
    %get3A_132 = arith.constant 112 : index
    %get3A_133 = tpu.vector_load %arg5[%get3A_132] {strides = array<i32>} : memref<128xi32, #tpu.memory_space<vmem>>, vector<16xi32>,
    %get3A_134 = vector.shape_cast %get3A_133 : vector<16xi32> to vector<16xi32>
    %iota3A_135 = tpu.iota {dimensions = array<i32: 0>} : vector<16xi32>
    %add3A_136 = arith.constant 112 : i32
    %add3A_137 = arith.addi %mul3A_2, %add3A_136 : i32
    %add3A_138 = vector.broadcast %add3A_137 : i32 to vector<16xi32>
    %add3A_139 = arith.addi %iota3A_135, %add3A_138 : vector<16xi32>
    %mul3A_140 = arith.constant 32 : i32
    %mul3A_141 = vector.broadcast %mul3A_140 : i32 to vector<16xi32>
    %mul3A_142 = arith.muli %add3A_139, %mul3A_141 : vector<16xi32>
    %shift_right_logical3A_143 = arith.constant 1 : i32
    %shift_right_logical3A_144 = vector.broadcast %shift_right_logical3A_143 : i32 to vector<16xi32>
    %shift_right_logical3A_145 = arith.shrui %get3A_134, %shift_right_logical3A_144 : vector<16xi32>
    %add3A_146 = arith.addi %mul3A_142, %shift_right_logical3A_145 : vector<16xi32>
    %swap3A_147 = arith.constant 112 : index
    %swap3A_148 = tpu.vector_load %arg6[%swap3A_147] {strides = array<i32>} : memref<128xi32, #tpu.memory_space<vmem>>, vector<16xi32>,
    %swap3A_149 = vector.shape_cast %swap3A_148 : vector<16xi32> to vector<16xi32>
    %swap3A_150 = vector.shape_cast %add3A_146 : vector<16xi32> to vector<16xi32>
    tpu.vector_store %arg6[%swap3A_147], %swap3A_150 {strides = array<i32>} : memref<128xi32, #tpu.memory_space<vmem>>, vector<16xi32>,
    %dma_start3A = arith.constant 0 : i32
    %dma_start3A_151 = arith.constant 0 : i32
    %dma_start3A_152 = tpu.memref_slice %arg2[%dma_start3A, %dma_start3A_151] : memref<131072x128xf32, #tpu.memory_space<hbm>> -> memref<131072x128xf32, #tpu.memory_space<hbm>>
    tpu.enqueue_indirect_dma source(%dma_start3A_152 : memref<131072x128xf32, #tpu.memory_space<hbm>>) target(%arg7 : memref<128x128xf32, #tpu.memory_space<vmem>>) offsets(%arg6 : memref<128xi32, #tpu.memory_space<vmem>>) semaphore(%arg8 : memref<!tpu.dma_semaphore, #tpu.memory_space<semaphore_mem>>)
    %dma_wait3A = arith.constant 0 : i32
    %dma_wait3A_153 = arith.constant 0 : i32
    %dma_wait3A_154 = tpu.memref_slice %arg2[%dma_wait3A, %dma_wait3A_153] : memref<131072x128xf32, #tpu.memory_space<hbm>> -> memref<131072x128xf32, #tpu.memory_space<hbm>>
    tpu.wait_indirect_dma semaphore(%arg8 : memref<!tpu.dma_semaphore, #tpu.memory_space<semaphore_mem>>) src(%dma_wait3A_154 : memref<131072x128xf32, #tpu.memory_space<hbm>>) dst(%arg7 : memref<128x128xf32, #tpu.memory_space<vmem>>)
    "tpu.region"() ({
      %run_scoped3A = tpu.sem_alloc : memref<!tpu.dma_semaphore, #tpu.memory_space<semaphore_mem>>
      %dma_start3A_155 = arith.constant 0 : i32
      %dma_start3A_156 = tpu.memref_slice %arg4[%mul3A_2, %dma_start3A_155] : memref<4096x128xf32, #tpu.memory_space<hbm>> -> memref<128x128xf32, #tpu.memory_space<hbm>>
      %dma_start3A_157 = arith.constant 0 : i32
      %dma_start3A_158 = tpu.memref_slice %arg4[%mul3A_2, %dma_start3A_157] : memref<4096x128xf32, #tpu.memory_space<hbm>> -> memref<128x128xf32, #tpu.memory_space<hbm>>
      tpu.enqueue_dma source(%arg7 : memref<128x128xf32, #tpu.memory_space<vmem>>) target(%dma_start3A_158 : memref<128x128xf32, #tpu.memory_space<hbm>>) target_semaphore(%run_scoped3A : memref<!tpu.dma_semaphore, #tpu.memory_space<semaphore_mem>>)
      %dma_wait3A_159 = arith.constant 0 : i32
      %dma_wait3A_160 = tpu.memref_slice %arg4[%mul3A_2, %dma_wait3A_159] : memref<4096x128xf32, #tpu.memory_space<hbm>> -> memref<128x128xf32, #tpu.memory_space<hbm>>
      %dma_wait3A_161 = arith.constant 0 : i32
      %dma_wait3A_162 = tpu.memref_slice %arg4[%mul3A_2, %dma_wait3A_161] : memref<4096x128xf32, #tpu.memory_space<hbm>> -> memref<128x128xf32, #tpu.memory_space<hbm>>
      tpu.wait_dma2 semaphore(%run_scoped3A : memref<!tpu.dma_semaphore, #tpu.memory_space<semaphore_mem>>) src(%arg7 : memref<128x128xf32, #tpu.memory_space<vmem>>) dst(%dma_wait3A_162 : memref<128x128xf32, #tpu.memory_space<hbm>>)
      tpu.yield
    }) : () -> ()
    return
  }
}

module attributes {stable_mosaic.version = 14 : i64} {
  func.func @_fwd_body(%arg0: i32, %arg1: memref<128x64xf32, #tpu.memory_space<vmem>>, %arg2: memref<8192x32xf32, #tpu.memory_space<vmem>>, %arg3: memref<128x128xf32, #tpu.memory_space<vmem>>, %arg4: memref<128x1xi32, #tpu.memory_space<vmem>>, %arg5: memref<32x64xf32, #tpu.memory_space<vmem>>, %arg6: memref<1x64xf32, #tpu.memory_space<vmem>>, %arg7: memref<64x64xf32, #tpu.memory_space<vmem>>, %arg8: memref<1x64xf32, #tpu.memory_space<vmem>>, %arg9: memref<128x64xf32, #tpu.memory_space<vmem>>, %arg10: memref<1x64xf32, #tpu.memory_space<vmem>>, %arg11: memref<64x64xf32, #tpu.memory_space<vmem>>, %arg12: memref<1x64xf32, #tpu.memory_space<vmem>>, %arg13: memref<64x32xf32, #tpu.memory_space<vmem>>, %arg14: memref<1x32xf32, #tpu.memory_space<vmem>>, %arg15: memref<128x1xi32, #tpu.memory_space<vmem>>, %arg16: memref<128x1xf32, #tpu.memory_space<vmem>>) attributes {dimension_semantics = [#tpu.dimension_semantics<parallel>], iteration_bounds = array<i64: 32>, scalar_prefetch = 0 : i64, scratch_operands = 0 : i64, tpu.core_type = #tpu.core_type<tc>, window_params = [{transform_indices = @transform_0, window_bounds = array<i64: 128, 64>}, {transform_indices = @transform_1, window_bounds = array<i64: 8192, 32>}, {transform_indices = @transform_2, window_bounds = array<i64: 128, 128>}, {transform_indices = @transform_3, window_bounds = array<i64: 128, 1>}, {pipeline_mode = #tpu.pipeline_mode<synchronous>, transform_indices = @transform_4, window_bounds = array<i64: 32, 64>}, {pipeline_mode = #tpu.pipeline_mode<synchronous>, transform_indices = @transform_5, window_bounds = array<i64: 1, 64>}, {pipeline_mode = #tpu.pipeline_mode<synchronous>, transform_indices = @transform_6, window_bounds = array<i64: 64, 64>}, {pipeline_mode = #tpu.pipeline_mode<synchronous>, transform_indices = @transform_7, window_bounds = array<i64: 1, 64>}, {pipeline_mode = #tpu.pipeline_mode<synchronous>, transform_indices = @transform_8, window_bounds = array<i64: 128, 64>}, {pipeline_mode = #tpu.pipeline_mode<synchronous>, transform_indices = @transform_9, window_bounds = array<i64: 1, 64>}, {pipeline_mode = #tpu.pipeline_mode<synchronous>, transform_indices = @transform_10, window_bounds = array<i64: 64, 64>}, {pipeline_mode = #tpu.pipeline_mode<synchronous>, transform_indices = @transform_11, window_bounds = array<i64: 1, 64>}, {pipeline_mode = #tpu.pipeline_mode<synchronous>, transform_indices = @transform_12, window_bounds = array<i64: 64, 32>}, {pipeline_mode = #tpu.pipeline_mode<synchronous>, transform_indices = @transform_13, window_bounds = array<i64: 1, 32>}, {transform_indices = @transform_14, window_bounds = array<i64: 128, 1>}, {transform_indices = @transform_15, window_bounds = array<i64: 128, 1>}]} {
    %get3A = arith.constant 0 : index
    %get3A_0 = arith.constant 0 : index
    %get3A_1 = vector.load %arg3[%get3A, %get3A_0] : memref<128x128xf32, #tpu.memory_space<vmem>>, vector<128x128xf32>
    %get3A_2 = arith.constant 0 : index
    %get3A_3 = arith.constant 0 : index
    %get3A_4 = vector.load %arg4[%get3A_2, %get3A_3] : memref<128x1xi32, #tpu.memory_space<vmem>>, vector<128x1xi32>
    %jit3A = arith.constant 2 : i32
    %eq3A = arith.constant 0 : i32
    %eq3A_5 = arith.cmpi eq, %jit3A, %eq3A : i32
    %jit3A_6 = arith.constant 1 : i32
    %select_n3A = arith.select %eq3A_5, %jit3A_6, %jit3A : i32
    %rem3A = vector.broadcast %select_n3A : i32 to vector<128x1xi32>
    %rem3A_7 = arith.remsi %get3A_4, %rem3A : vector<128x1xi32>
    %ne3A = arith.constant 0 : i32
    %ne3A_8 = vector.broadcast %ne3A : i32 to vector<128x1xi32>
    %ne3A_9 = arith.cmpi ne, %rem3A_7, %ne3A_8 : vector<128x1xi32>
    %lt3A = arith.constant 0 : i32
    %lt3A_10 = vector.broadcast %lt3A : i32 to vector<128x1xi32>
    %lt3A_11 = arith.cmpi slt, %rem3A_7, %lt3A_10 : vector<128x1xi32>
    %lt3A_12 = arith.constant 0 : i32
    %lt3A_13 = arith.cmpi slt, %select_n3A, %lt3A_12 : i32
    %ne3A_14 = vector.broadcast %lt3A_13 : i1 to vector<128x1xi1>
    %ne3A_15 = vector.broadcast %ne3A_14 : vector<128x1xi1> to vector<128x1xi1>
    %ne3A_16 = arith.xori %lt3A_11, %ne3A_15 : vector<128x1xi1>
    %and3A = arith.andi %ne3A_16, %ne3A_9 : vector<128x1xi1>
    %add3A = vector.broadcast %select_n3A : i32 to vector<128x1xi32>
    %add3A_17 = arith.addi %rem3A_7, %add3A : vector<128x1xi32>
    %select_n3A_18 = arith.select %and3A, %add3A_17, %rem3A_7 : vector<128x1xi1>, vector<128x1xi32>
    %eq3A_19 = arith.constant 1 : i32
    %eq3A_20 = vector.broadcast %eq3A_19 : i32 to vector<128x1xi32>
    %eq3A_21 = arith.cmpi eq, %select_n3A_18, %eq3A_20 : vector<128x1xi32>
    %slice3A = vector.extract_strided_slice %get3A_1 {offsets = [0, 64], sizes = [128, 64], strides = [1, 1]} : vector<128x128xf32> to vector<128x64xf32>
    %slice3A_22 = vector.extract_strided_slice %get3A_1 {offsets = [0, 0], sizes = [128, 64], strides = [1, 1]} : vector<128x128xf32> to vector<128x64xf32>
    %broadcast_in_dim3A = vector.shape_cast %eq3A_21 : vector<128x1xi1> to vector<128x1xi1>
    %broadcast_in_dim3A_23 = vector.broadcast %broadcast_in_dim3A : vector<128x1xi1> to vector<128x64xi1>
    %select_n3A_24 = arith.select %broadcast_in_dim3A_23, %slice3A, %slice3A_22 : vector<128x64xi1>, vector<128x64xf32>
    %get3A_25 = arith.constant 0 : index
    %get3A_26 = arith.constant 0 : index
    %get3A_27 = vector.load %arg2[%get3A_25, %get3A_26] : memref<8192x32xf32, #tpu.memory_space<vmem>>, vector<8192x32xf32>
    %get3A_28 = arith.constant 0 : index
    %get3A_29 = arith.constant 0 : index
    %get3A_30 = vector.load %arg5[%get3A_28, %get3A_29] : memref<32x64xf32, #tpu.memory_space<vmem>>, vector<32x64xf32>
    %dot_general3A = arith.constant dense<0.000000e+00> : vector<8192x64xf32>
    %dot_general3A_31 = tpu.matmul %get3A_27, %get3A_30, %dot_general3A {dimension_numbers = #tpu.dot_dimension_numbers<[1], [0], [0], [1], [0, 0, 1, 1], [], []>, transpose_lhs_hint = false} : vector<8192x32xf32>, vector<32x64xf32>, vector<8192x64xf32> -> vector<8192x64xf32>
    %get3A_32 = arith.constant 0 : index
    %get3A_33 = arith.constant 0 : index
    %get3A_34 = vector.load %arg6[%get3A_32, %get3A_33] : memref<1x64xf32, #tpu.memory_space<vmem>>, vector<1x64xf32>
    %add3A_35 = vector.broadcast %get3A_34 : vector<1x64xf32> to vector<8192x64xf32>
    %add3A_36 = arith.addf %dot_general3A_31, %add3A_35 : vector<8192x64xf32>
    %max3A = arith.constant 0.000000e+00 : f32
    %max3A_37 = vector.broadcast %max3A : f32 to vector<8192x64xf32>
    %max3A_38 = arith.maximumf %add3A_36, %max3A_37 : vector<8192x64xf32>
    %convert_element_type3A = arith.truncf %max3A_38 : vector<8192x64xf32> to vector<8192x64xbf16>
    %convert_element_type3A_39 = arith.extf %convert_element_type3A : vector<8192x64xbf16> to vector<8192x64xf32>
    %reshape3A = vector.shape_cast %convert_element_type3A_39 : vector<8192x64xf32> to vector<128x64x64xf32>
    %broadcast_in_dim3A_40 = vector.shape_cast %select_n3A_24 : vector<128x64xf32> to vector<128x64x1xf32>
    %mul3A = vector.broadcast %broadcast_in_dim3A_40 : vector<128x64x1xf32> to vector<128x64x64xf32>
    %mul3A_41 = arith.mulf %reshape3A, %mul3A : vector<128x64x64xf32>
    %broadcast_in_dim3A_42 = arith.constant 0.000000e+00 : f32
    %broadcast_in_dim3A_43 = vector.broadcast %broadcast_in_dim3A_42 : f32 to vector<128x64xf32>
    %slice3A_44 = vector.extract_strided_slice %mul3A_41 {offsets = [0, 0, 0], sizes = [128, 1, 64], strides = [1, 1, 1]} : vector<128x64x64xf32> to vector<128x1x64xf32>
    %squeeze3A = vector.shape_cast %slice3A_44 : vector<128x1x64xf32> to vector<128x64xf32>
    %add3A_45 = arith.addf %broadcast_in_dim3A_43, %squeeze3A : vector<128x64xf32>
    %slice3A_46 = vector.extract_strided_slice %mul3A_41 {offsets = [0, 1, 0], sizes = [128, 1, 64], strides = [1, 1, 1]} : vector<128x64x64xf32> to vector<128x1x64xf32>
    %squeeze3A_47 = vector.shape_cast %slice3A_46 : vector<128x1x64xf32> to vector<128x64xf32>
    %add3A_48 = arith.addf %add3A_45, %squeeze3A_47 : vector<128x64xf32>
    %slice3A_49 = vector.extract_strided_slice %mul3A_41 {offsets = [0, 2, 0], sizes = [128, 1, 64], strides = [1, 1, 1]} : vector<128x64x64xf32> to vector<128x1x64xf32>
    %squeeze3A_50 = vector.shape_cast %slice3A_49 : vector<128x1x64xf32> to vector<128x64xf32>
    %add3A_51 = arith.addf %add3A_48, %squeeze3A_50 : vector<128x64xf32>
    %slice3A_52 = vector.extract_strided_slice %mul3A_41 {offsets = [0, 3, 0], sizes = [128, 1, 64], strides = [1, 1, 1]} : vector<128x64x64xf32> to vector<128x1x64xf32>
    %squeeze3A_53 = vector.shape_cast %slice3A_52 : vector<128x1x64xf32> to vector<128x64xf32>
    %add3A_54 = arith.addf %add3A_51, %squeeze3A_53 : vector<128x64xf32>
    %slice3A_55 = vector.extract_strided_slice %mul3A_41 {offsets = [0, 4, 0], sizes = [128, 1, 64], strides = [1, 1, 1]} : vector<128x64x64xf32> to vector<128x1x64xf32>
    %squeeze3A_56 = vector.shape_cast %slice3A_55 : vector<128x1x64xf32> to vector<128x64xf32>
    %add3A_57 = arith.addf %add3A_54, %squeeze3A_56 : vector<128x64xf32>
    %slice3A_58 = vector.extract_strided_slice %mul3A_41 {offsets = [0, 5, 0], sizes = [128, 1, 64], strides = [1, 1, 1]} : vector<128x64x64xf32> to vector<128x1x64xf32>
    %squeeze3A_59 = vector.shape_cast %slice3A_58 : vector<128x1x64xf32> to vector<128x64xf32>
    %add3A_60 = arith.addf %add3A_57, %squeeze3A_59 : vector<128x64xf32>
    %slice3A_61 = vector.extract_strided_slice %mul3A_41 {offsets = [0, 6, 0], sizes = [128, 1, 64], strides = [1, 1, 1]} : vector<128x64x64xf32> to vector<128x1x64xf32>
    %squeeze3A_62 = vector.shape_cast %slice3A_61 : vector<128x1x64xf32> to vector<128x64xf32>
    %add3A_63 = arith.addf %add3A_60, %squeeze3A_62 : vector<128x64xf32>
    %slice3A_64 = vector.extract_strided_slice %mul3A_41 {offsets = [0, 7, 0], sizes = [128, 1, 64], strides = [1, 1, 1]} : vector<128x64x64xf32> to vector<128x1x64xf32>
    %squeeze3A_65 = vector.shape_cast %slice3A_64 : vector<128x1x64xf32> to vector<128x64xf32>
    %add3A_66 = arith.addf %add3A_63, %squeeze3A_65 : vector<128x64xf32>
    %slice3A_67 = vector.extract_strided_slice %mul3A_41 {offsets = [0, 8, 0], sizes = [128, 1, 64], strides = [1, 1, 1]} : vector<128x64x64xf32> to vector<128x1x64xf32>
    %squeeze3A_68 = vector.shape_cast %slice3A_67 : vector<128x1x64xf32> to vector<128x64xf32>
    %add3A_69 = arith.addf %add3A_66, %squeeze3A_68 : vector<128x64xf32>
    %slice3A_70 = vector.extract_strided_slice %mul3A_41 {offsets = [0, 9, 0], sizes = [128, 1, 64], strides = [1, 1, 1]} : vector<128x64x64xf32> to vector<128x1x64xf32>
    %squeeze3A_71 = vector.shape_cast %slice3A_70 : vector<128x1x64xf32> to vector<128x64xf32>
    %add3A_72 = arith.addf %add3A_69, %squeeze3A_71 : vector<128x64xf32>
    %slice3A_73 = vector.extract_strided_slice %mul3A_41 {offsets = [0, 10, 0], sizes = [128, 1, 64], strides = [1, 1, 1]} : vector<128x64x64xf32> to vector<128x1x64xf32>
    %squeeze3A_74 = vector.shape_cast %slice3A_73 : vector<128x1x64xf32> to vector<128x64xf32>
    %add3A_75 = arith.addf %add3A_72, %squeeze3A_74 : vector<128x64xf32>
    %slice3A_76 = vector.extract_strided_slice %mul3A_41 {offsets = [0, 11, 0], sizes = [128, 1, 64], strides = [1, 1, 1]} : vector<128x64x64xf32> to vector<128x1x64xf32>
    %squeeze3A_77 = vector.shape_cast %slice3A_76 : vector<128x1x64xf32> to vector<128x64xf32>
    %add3A_78 = arith.addf %add3A_75, %squeeze3A_77 : vector<128x64xf32>
    %slice3A_79 = vector.extract_strided_slice %mul3A_41 {offsets = [0, 12, 0], sizes = [128, 1, 64], strides = [1, 1, 1]} : vector<128x64x64xf32> to vector<128x1x64xf32>
    %squeeze3A_80 = vector.shape_cast %slice3A_79 : vector<128x1x64xf32> to vector<128x64xf32>
    %add3A_81 = arith.addf %add3A_78, %squeeze3A_80 : vector<128x64xf32>
    %slice3A_82 = vector.extract_strided_slice %mul3A_41 {offsets = [0, 13, 0], sizes = [128, 1, 64], strides = [1, 1, 1]} : vector<128x64x64xf32> to vector<128x1x64xf32>
    %squeeze3A_83 = vector.shape_cast %slice3A_82 : vector<128x1x64xf32> to vector<128x64xf32>
    %add3A_84 = arith.addf %add3A_81, %squeeze3A_83 : vector<128x64xf32>
    %slice3A_85 = vector.extract_strided_slice %mul3A_41 {offsets = [0, 14, 0], sizes = [128, 1, 64], strides = [1, 1, 1]} : vector<128x64x64xf32> to vector<128x1x64xf32>
    %squeeze3A_86 = vector.shape_cast %slice3A_85 : vector<128x1x64xf32> to vector<128x64xf32>
    %add3A_87 = arith.addf %add3A_84, %squeeze3A_86 : vector<128x64xf32>
    %slice3A_88 = vector.extract_strided_slice %mul3A_41 {offsets = [0, 15, 0], sizes = [128, 1, 64], strides = [1, 1, 1]} : vector<128x64x64xf32> to vector<128x1x64xf32>
    %squeeze3A_89 = vector.shape_cast %slice3A_88 : vector<128x1x64xf32> to vector<128x64xf32>
    %add3A_90 = arith.addf %add3A_87, %squeeze3A_89 : vector<128x64xf32>
    %slice3A_91 = vector.extract_strided_slice %mul3A_41 {offsets = [0, 16, 0], sizes = [128, 1, 64], strides = [1, 1, 1]} : vector<128x64x64xf32> to vector<128x1x64xf32>
    %squeeze3A_92 = vector.shape_cast %slice3A_91 : vector<128x1x64xf32> to vector<128x64xf32>
    %add3A_93 = arith.addf %add3A_90, %squeeze3A_92 : vector<128x64xf32>
    %slice3A_94 = vector.extract_strided_slice %mul3A_41 {offsets = [0, 17, 0], sizes = [128, 1, 64], strides = [1, 1, 1]} : vector<128x64x64xf32> to vector<128x1x64xf32>
    %squeeze3A_95 = vector.shape_cast %slice3A_94 : vector<128x1x64xf32> to vector<128x64xf32>
    %add3A_96 = arith.addf %add3A_93, %squeeze3A_95 : vector<128x64xf32>
    %slice3A_97 = vector.extract_strided_slice %mul3A_41 {offsets = [0, 18, 0], sizes = [128, 1, 64], strides = [1, 1, 1]} : vector<128x64x64xf32> to vector<128x1x64xf32>
    %squeeze3A_98 = vector.shape_cast %slice3A_97 : vector<128x1x64xf32> to vector<128x64xf32>
    %add3A_99 = arith.addf %add3A_96, %squeeze3A_98 : vector<128x64xf32>
    %slice3A_100 = vector.extract_strided_slice %mul3A_41 {offsets = [0, 19, 0], sizes = [128, 1, 64], strides = [1, 1, 1]} : vector<128x64x64xf32> to vector<128x1x64xf32>
    %squeeze3A_101 = vector.shape_cast %slice3A_100 : vector<128x1x64xf32> to vector<128x64xf32>
    %add3A_102 = arith.addf %add3A_99, %squeeze3A_101 : vector<128x64xf32>
    %slice3A_103 = vector.extract_strided_slice %mul3A_41 {offsets = [0, 20, 0], sizes = [128, 1, 64], strides = [1, 1, 1]} : vector<128x64x64xf32> to vector<128x1x64xf32>
    %squeeze3A_104 = vector.shape_cast %slice3A_103 : vector<128x1x64xf32> to vector<128x64xf32>
    %add3A_105 = arith.addf %add3A_102, %squeeze3A_104 : vector<128x64xf32>
    %slice3A_106 = vector.extract_strided_slice %mul3A_41 {offsets = [0, 21, 0], sizes = [128, 1, 64], strides = [1, 1, 1]} : vector<128x64x64xf32> to vector<128x1x64xf32>
    %squeeze3A_107 = vector.shape_cast %slice3A_106 : vector<128x1x64xf32> to vector<128x64xf32>
    %add3A_108 = arith.addf %add3A_105, %squeeze3A_107 : vector<128x64xf32>
    %slice3A_109 = vector.extract_strided_slice %mul3A_41 {offsets = [0, 22, 0], sizes = [128, 1, 64], strides = [1, 1, 1]} : vector<128x64x64xf32> to vector<128x1x64xf32>
    %squeeze3A_110 = vector.shape_cast %slice3A_109 : vector<128x1x64xf32> to vector<128x64xf32>
    %add3A_111 = arith.addf %add3A_108, %squeeze3A_110 : vector<128x64xf32>
    %slice3A_112 = vector.extract_strided_slice %mul3A_41 {offsets = [0, 23, 0], sizes = [128, 1, 64], strides = [1, 1, 1]} : vector<128x64x64xf32> to vector<128x1x64xf32>
    %squeeze3A_113 = vector.shape_cast %slice3A_112 : vector<128x1x64xf32> to vector<128x64xf32>
    %add3A_114 = arith.addf %add3A_111, %squeeze3A_113 : vector<128x64xf32>
    %slice3A_115 = vector.extract_strided_slice %mul3A_41 {offsets = [0, 24, 0], sizes = [128, 1, 64], strides = [1, 1, 1]} : vector<128x64x64xf32> to vector<128x1x64xf32>
    %squeeze3A_116 = vector.shape_cast %slice3A_115 : vector<128x1x64xf32> to vector<128x64xf32>
    %add3A_117 = arith.addf %add3A_114, %squeeze3A_116 : vector<128x64xf32>
    %slice3A_118 = vector.extract_strided_slice %mul3A_41 {offsets = [0, 25, 0], sizes = [128, 1, 64], strides = [1, 1, 1]} : vector<128x64x64xf32> to vector<128x1x64xf32>
    %squeeze3A_119 = vector.shape_cast %slice3A_118 : vector<128x1x64xf32> to vector<128x64xf32>
    %add3A_120 = arith.addf %add3A_117, %squeeze3A_119 : vector<128x64xf32>
    %slice3A_121 = vector.extract_strided_slice %mul3A_41 {offsets = [0, 26, 0], sizes = [128, 1, 64], strides = [1, 1, 1]} : vector<128x64x64xf32> to vector<128x1x64xf32>
    %squeeze3A_122 = vector.shape_cast %slice3A_121 : vector<128x1x64xf32> to vector<128x64xf32>
    %add3A_123 = arith.addf %add3A_120, %squeeze3A_122 : vector<128x64xf32>
    %slice3A_124 = vector.extract_strided_slice %mul3A_41 {offsets = [0, 27, 0], sizes = [128, 1, 64], strides = [1, 1, 1]} : vector<128x64x64xf32> to vector<128x1x64xf32>
    %squeeze3A_125 = vector.shape_cast %slice3A_124 : vector<128x1x64xf32> to vector<128x64xf32>
    %add3A_126 = arith.addf %add3A_123, %squeeze3A_125 : vector<128x64xf32>
    %slice3A_127 = vector.extract_strided_slice %mul3A_41 {offsets = [0, 28, 0], sizes = [128, 1, 64], strides = [1, 1, 1]} : vector<128x64x64xf32> to vector<128x1x64xf32>
    %squeeze3A_128 = vector.shape_cast %slice3A_127 : vector<128x1x64xf32> to vector<128x64xf32>
    %add3A_129 = arith.addf %add3A_126, %squeeze3A_128 : vector<128x64xf32>
    %slice3A_130 = vector.extract_strided_slice %mul3A_41 {offsets = [0, 29, 0], sizes = [128, 1, 64], strides = [1, 1, 1]} : vector<128x64x64xf32> to vector<128x1x64xf32>
    %squeeze3A_131 = vector.shape_cast %slice3A_130 : vector<128x1x64xf32> to vector<128x64xf32>
    %add3A_132 = arith.addf %add3A_129, %squeeze3A_131 : vector<128x64xf32>
    %slice3A_133 = vector.extract_strided_slice %mul3A_41 {offsets = [0, 30, 0], sizes = [128, 1, 64], strides = [1, 1, 1]} : vector<128x64x64xf32> to vector<128x1x64xf32>
    %squeeze3A_134 = vector.shape_cast %slice3A_133 : vector<128x1x64xf32> to vector<128x64xf32>
    %add3A_135 = arith.addf %add3A_132, %squeeze3A_134 : vector<128x64xf32>
    %slice3A_136 = vector.extract_strided_slice %mul3A_41 {offsets = [0, 31, 0], sizes = [128, 1, 64], strides = [1, 1, 1]} : vector<128x64x64xf32> to vector<128x1x64xf32>
    %squeeze3A_137 = vector.shape_cast %slice3A_136 : vector<128x1x64xf32> to vector<128x64xf32>
    %add3A_138 = arith.addf %add3A_135, %squeeze3A_137 : vector<128x64xf32>
    %slice3A_139 = vector.extract_strided_slice %mul3A_41 {offsets = [0, 32, 0], sizes = [128, 1, 64], strides = [1, 1, 1]} : vector<128x64x64xf32> to vector<128x1x64xf32>
    %squeeze3A_140 = vector.shape_cast %slice3A_139 : vector<128x1x64xf32> to vector<128x64xf32>
    %add3A_141 = arith.addf %add3A_138, %squeeze3A_140 : vector<128x64xf32>
    %slice3A_142 = vector.extract_strided_slice %mul3A_41 {offsets = [0, 33, 0], sizes = [128, 1, 64], strides = [1, 1, 1]} : vector<128x64x64xf32> to vector<128x1x64xf32>
    %squeeze3A_143 = vector.shape_cast %slice3A_142 : vector<128x1x64xf32> to vector<128x64xf32>
    %add3A_144 = arith.addf %add3A_141, %squeeze3A_143 : vector<128x64xf32>
    %slice3A_145 = vector.extract_strided_slice %mul3A_41 {offsets = [0, 34, 0], sizes = [128, 1, 64], strides = [1, 1, 1]} : vector<128x64x64xf32> to vector<128x1x64xf32>
    %squeeze3A_146 = vector.shape_cast %slice3A_145 : vector<128x1x64xf32> to vector<128x64xf32>
    %add3A_147 = arith.addf %add3A_144, %squeeze3A_146 : vector<128x64xf32>
    %slice3A_148 = vector.extract_strided_slice %mul3A_41 {offsets = [0, 35, 0], sizes = [128, 1, 64], strides = [1, 1, 1]} : vector<128x64x64xf32> to vector<128x1x64xf32>
    %squeeze3A_149 = vector.shape_cast %slice3A_148 : vector<128x1x64xf32> to vector<128x64xf32>
    %add3A_150 = arith.addf %add3A_147, %squeeze3A_149 : vector<128x64xf32>
    %slice3A_151 = vector.extract_strided_slice %mul3A_41 {offsets = [0, 36, 0], sizes = [128, 1, 64], strides = [1, 1, 1]} : vector<128x64x64xf32> to vector<128x1x64xf32>
    %squeeze3A_152 = vector.shape_cast %slice3A_151 : vector<128x1x64xf32> to vector<128x64xf32>
    %add3A_153 = arith.addf %add3A_150, %squeeze3A_152 : vector<128x64xf32>
    %slice3A_154 = vector.extract_strided_slice %mul3A_41 {offsets = [0, 37, 0], sizes = [128, 1, 64], strides = [1, 1, 1]} : vector<128x64x64xf32> to vector<128x1x64xf32>
    %squeeze3A_155 = vector.shape_cast %slice3A_154 : vector<128x1x64xf32> to vector<128x64xf32>
    %add3A_156 = arith.addf %add3A_153, %squeeze3A_155 : vector<128x64xf32>
    %slice3A_157 = vector.extract_strided_slice %mul3A_41 {offsets = [0, 38, 0], sizes = [128, 1, 64], strides = [1, 1, 1]} : vector<128x64x64xf32> to vector<128x1x64xf32>
    %squeeze3A_158 = vector.shape_cast %slice3A_157 : vector<128x1x64xf32> to vector<128x64xf32>
    %add3A_159 = arith.addf %add3A_156, %squeeze3A_158 : vector<128x64xf32>
    %slice3A_160 = vector.extract_strided_slice %mul3A_41 {offsets = [0, 39, 0], sizes = [128, 1, 64], strides = [1, 1, 1]} : vector<128x64x64xf32> to vector<128x1x64xf32>
    %squeeze3A_161 = vector.shape_cast %slice3A_160 : vector<128x1x64xf32> to vector<128x64xf32>
    %add3A_162 = arith.addf %add3A_159, %squeeze3A_161 : vector<128x64xf32>
    %slice3A_163 = vector.extract_strided_slice %mul3A_41 {offsets = [0, 40, 0], sizes = [128, 1, 64], strides = [1, 1, 1]} : vector<128x64x64xf32> to vector<128x1x64xf32>
    %squeeze3A_164 = vector.shape_cast %slice3A_163 : vector<128x1x64xf32> to vector<128x64xf32>
    %add3A_165 = arith.addf %add3A_162, %squeeze3A_164 : vector<128x64xf32>
    %slice3A_166 = vector.extract_strided_slice %mul3A_41 {offsets = [0, 41, 0], sizes = [128, 1, 64], strides = [1, 1, 1]} : vector<128x64x64xf32> to vector<128x1x64xf32>
    %squeeze3A_167 = vector.shape_cast %slice3A_166 : vector<128x1x64xf32> to vector<128x64xf32>
    %add3A_168 = arith.addf %add3A_165, %squeeze3A_167 : vector<128x64xf32>
    %slice3A_169 = vector.extract_strided_slice %mul3A_41 {offsets = [0, 42, 0], sizes = [128, 1, 64], strides = [1, 1, 1]} : vector<128x64x64xf32> to vector<128x1x64xf32>
    %squeeze3A_170 = vector.shape_cast %slice3A_169 : vector<128x1x64xf32> to vector<128x64xf32>
    %add3A_171 = arith.addf %add3A_168, %squeeze3A_170 : vector<128x64xf32>
    %slice3A_172 = vector.extract_strided_slice %mul3A_41 {offsets = [0, 43, 0], sizes = [128, 1, 64], strides = [1, 1, 1]} : vector<128x64x64xf32> to vector<128x1x64xf32>
    %squeeze3A_173 = vector.shape_cast %slice3A_172 : vector<128x1x64xf32> to vector<128x64xf32>
    %add3A_174 = arith.addf %add3A_171, %squeeze3A_173 : vector<128x64xf32>
    %slice3A_175 = vector.extract_strided_slice %mul3A_41 {offsets = [0, 44, 0], sizes = [128, 1, 64], strides = [1, 1, 1]} : vector<128x64x64xf32> to vector<128x1x64xf32>
    %squeeze3A_176 = vector.shape_cast %slice3A_175 : vector<128x1x64xf32> to vector<128x64xf32>
    %add3A_177 = arith.addf %add3A_174, %squeeze3A_176 : vector<128x64xf32>
    %slice3A_178 = vector.extract_strided_slice %mul3A_41 {offsets = [0, 45, 0], sizes = [128, 1, 64], strides = [1, 1, 1]} : vector<128x64x64xf32> to vector<128x1x64xf32>
    %squeeze3A_179 = vector.shape_cast %slice3A_178 : vector<128x1x64xf32> to vector<128x64xf32>
    %add3A_180 = arith.addf %add3A_177, %squeeze3A_179 : vector<128x64xf32>
    %slice3A_181 = vector.extract_strided_slice %mul3A_41 {offsets = [0, 46, 0], sizes = [128, 1, 64], strides = [1, 1, 1]} : vector<128x64x64xf32> to vector<128x1x64xf32>
    %squeeze3A_182 = vector.shape_cast %slice3A_181 : vector<128x1x64xf32> to vector<128x64xf32>
    %add3A_183 = arith.addf %add3A_180, %squeeze3A_182 : vector<128x64xf32>
    %slice3A_184 = vector.extract_strided_slice %mul3A_41 {offsets = [0, 47, 0], sizes = [128, 1, 64], strides = [1, 1, 1]} : vector<128x64x64xf32> to vector<128x1x64xf32>
    %squeeze3A_185 = vector.shape_cast %slice3A_184 : vector<128x1x64xf32> to vector<128x64xf32>
    %add3A_186 = arith.addf %add3A_183, %squeeze3A_185 : vector<128x64xf32>
    %slice3A_187 = vector.extract_strided_slice %mul3A_41 {offsets = [0, 48, 0], sizes = [128, 1, 64], strides = [1, 1, 1]} : vector<128x64x64xf32> to vector<128x1x64xf32>
    %squeeze3A_188 = vector.shape_cast %slice3A_187 : vector<128x1x64xf32> to vector<128x64xf32>
    %add3A_189 = arith.addf %add3A_186, %squeeze3A_188 : vector<128x64xf32>
    %slice3A_190 = vector.extract_strided_slice %mul3A_41 {offsets = [0, 49, 0], sizes = [128, 1, 64], strides = [1, 1, 1]} : vector<128x64x64xf32> to vector<128x1x64xf32>
    %squeeze3A_191 = vector.shape_cast %slice3A_190 : vector<128x1x64xf32> to vector<128x64xf32>
    %add3A_192 = arith.addf %add3A_189, %squeeze3A_191 : vector<128x64xf32>
    %slice3A_193 = vector.extract_strided_slice %mul3A_41 {offsets = [0, 50, 0], sizes = [128, 1, 64], strides = [1, 1, 1]} : vector<128x64x64xf32> to vector<128x1x64xf32>
    %squeeze3A_194 = vector.shape_cast %slice3A_193 : vector<128x1x64xf32> to vector<128x64xf32>
    %add3A_195 = arith.addf %add3A_192, %squeeze3A_194 : vector<128x64xf32>
    %slice3A_196 = vector.extract_strided_slice %mul3A_41 {offsets = [0, 51, 0], sizes = [128, 1, 64], strides = [1, 1, 1]} : vector<128x64x64xf32> to vector<128x1x64xf32>
    %squeeze3A_197 = vector.shape_cast %slice3A_196 : vector<128x1x64xf32> to vector<128x64xf32>
    %add3A_198 = arith.addf %add3A_195, %squeeze3A_197 : vector<128x64xf32>
    %slice3A_199 = vector.extract_strided_slice %mul3A_41 {offsets = [0, 52, 0], sizes = [128, 1, 64], strides = [1, 1, 1]} : vector<128x64x64xf32> to vector<128x1x64xf32>
    %squeeze3A_200 = vector.shape_cast %slice3A_199 : vector<128x1x64xf32> to vector<128x64xf32>
    %add3A_201 = arith.addf %add3A_198, %squeeze3A_200 : vector<128x64xf32>
    %slice3A_202 = vector.extract_strided_slice %mul3A_41 {offsets = [0, 53, 0], sizes = [128, 1, 64], strides = [1, 1, 1]} : vector<128x64x64xf32> to vector<128x1x64xf32>
    %squeeze3A_203 = vector.shape_cast %slice3A_202 : vector<128x1x64xf32> to vector<128x64xf32>
    %add3A_204 = arith.addf %add3A_201, %squeeze3A_203 : vector<128x64xf32>
    %slice3A_205 = vector.extract_strided_slice %mul3A_41 {offsets = [0, 54, 0], sizes = [128, 1, 64], strides = [1, 1, 1]} : vector<128x64x64xf32> to vector<128x1x64xf32>
    %squeeze3A_206 = vector.shape_cast %slice3A_205 : vector<128x1x64xf32> to vector<128x64xf32>
    %add3A_207 = arith.addf %add3A_204, %squeeze3A_206 : vector<128x64xf32>
    %slice3A_208 = vector.extract_strided_slice %mul3A_41 {offsets = [0, 55, 0], sizes = [128, 1, 64], strides = [1, 1, 1]} : vector<128x64x64xf32> to vector<128x1x64xf32>
    %squeeze3A_209 = vector.shape_cast %slice3A_208 : vector<128x1x64xf32> to vector<128x64xf32>
    %add3A_210 = arith.addf %add3A_207, %squeeze3A_209 : vector<128x64xf32>
    %slice3A_211 = vector.extract_strided_slice %mul3A_41 {offsets = [0, 56, 0], sizes = [128, 1, 64], strides = [1, 1, 1]} : vector<128x64x64xf32> to vector<128x1x64xf32>
    %squeeze3A_212 = vector.shape_cast %slice3A_211 : vector<128x1x64xf32> to vector<128x64xf32>
    %add3A_213 = arith.addf %add3A_210, %squeeze3A_212 : vector<128x64xf32>
    %slice3A_214 = vector.extract_strided_slice %mul3A_41 {offsets = [0, 57, 0], sizes = [128, 1, 64], strides = [1, 1, 1]} : vector<128x64x64xf32> to vector<128x1x64xf32>
    %squeeze3A_215 = vector.shape_cast %slice3A_214 : vector<128x1x64xf32> to vector<128x64xf32>
    %add3A_216 = arith.addf %add3A_213, %squeeze3A_215 : vector<128x64xf32>
    %slice3A_217 = vector.extract_strided_slice %mul3A_41 {offsets = [0, 58, 0], sizes = [128, 1, 64], strides = [1, 1, 1]} : vector<128x64x64xf32> to vector<128x1x64xf32>
    %squeeze3A_218 = vector.shape_cast %slice3A_217 : vector<128x1x64xf32> to vector<128x64xf32>
    %add3A_219 = arith.addf %add3A_216, %squeeze3A_218 : vector<128x64xf32>
    %slice3A_220 = vector.extract_strided_slice %mul3A_41 {offsets = [0, 59, 0], sizes = [128, 1, 64], strides = [1, 1, 1]} : vector<128x64x64xf32> to vector<128x1x64xf32>
    %squeeze3A_221 = vector.shape_cast %slice3A_220 : vector<128x1x64xf32> to vector<128x64xf32>
    %add3A_222 = arith.addf %add3A_219, %squeeze3A_221 : vector<128x64xf32>
    %slice3A_223 = vector.extract_strided_slice %mul3A_41 {offsets = [0, 60, 0], sizes = [128, 1, 64], strides = [1, 1, 1]} : vector<128x64x64xf32> to vector<128x1x64xf32>
    %squeeze3A_224 = vector.shape_cast %slice3A_223 : vector<128x1x64xf32> to vector<128x64xf32>
    %add3A_225 = arith.addf %add3A_222, %squeeze3A_224 : vector<128x64xf32>
    %slice3A_226 = vector.extract_strided_slice %mul3A_41 {offsets = [0, 61, 0], sizes = [128, 1, 64], strides = [1, 1, 1]} : vector<128x64x64xf32> to vector<128x1x64xf32>
    %squeeze3A_227 = vector.shape_cast %slice3A_226 : vector<128x1x64xf32> to vector<128x64xf32>
    %add3A_228 = arith.addf %add3A_225, %squeeze3A_227 : vector<128x64xf32>
    %slice3A_229 = vector.extract_strided_slice %mul3A_41 {offsets = [0, 62, 0], sizes = [128, 1, 64], strides = [1, 1, 1]} : vector<128x64x64xf32> to vector<128x1x64xf32>
    %squeeze3A_230 = vector.shape_cast %slice3A_229 : vector<128x1x64xf32> to vector<128x64xf32>
    %add3A_231 = arith.addf %add3A_228, %squeeze3A_230 : vector<128x64xf32>
    %slice3A_232 = vector.extract_strided_slice %mul3A_41 {offsets = [0, 63, 0], sizes = [128, 1, 64], strides = [1, 1, 1]} : vector<128x64x64xf32> to vector<128x1x64xf32>
    %squeeze3A_233 = vector.shape_cast %slice3A_232 : vector<128x1x64xf32> to vector<128x64xf32>
    %add3A_234 = arith.addf %add3A_231, %squeeze3A_233 : vector<128x64xf32>
    %get3A_235 = arith.constant 0 : index
    %get3A_236 = arith.constant 0 : index
    %get3A_237 = vector.load %arg7[%get3A_235, %get3A_236] : memref<64x64xf32, #tpu.memory_space<vmem>>, vector<64x64xf32>
    %dot_general3A_238 = arith.constant dense<0.000000e+00> : vector<128x64xf32>
    %dot_general3A_239 = tpu.matmul %add3A_234, %get3A_237, %dot_general3A_238 {dimension_numbers = #tpu.dot_dimension_numbers<[1], [0], [0], [1], [0, 0, 1, 1], [], []>, transpose_lhs_hint = false} : vector<128x64xf32>, vector<64x64xf32>, vector<128x64xf32> -> vector<128x64xf32>
    %get3A_240 = arith.constant 0 : index
    %get3A_241 = arith.constant 0 : index
    %get3A_242 = vector.load %arg8[%get3A_240, %get3A_241] : memref<1x64xf32, #tpu.memory_space<vmem>>, vector<1x64xf32>
    %add3A_243 = vector.broadcast %get3A_242 : vector<1x64xf32> to vector<128x64xf32>
    %add3A_244 = arith.addf %dot_general3A_239, %add3A_243 : vector<128x64xf32>
    %max3A_245 = arith.constant 0.000000e+00 : f32
    %max3A_246 = vector.broadcast %max3A_245 : f32 to vector<128x64xf32>
    %max3A_247 = arith.maximumf %add3A_244, %max3A_246 : vector<128x64xf32>
    %get3A_248 = arith.constant 0 : index
    %get3A_249 = arith.constant 0 : index
    %get3A_250 = vector.load %arg1[%get3A_248, %get3A_249] : memref<128x64xf32, #tpu.memory_space<vmem>>, vector<128x64xf32>
    %concatenate3A = tpu.concatenate %get3A_250, %max3A_247 in 1 : vector<128x64xf32>, vector<128x64xf32> -> vector<128x128xf32>
    %get3A_251 = arith.constant 0 : index
    %get3A_252 = arith.constant 0 : index
    %get3A_253 = vector.load %arg9[%get3A_251, %get3A_252] : memref<128x64xf32, #tpu.memory_space<vmem>>, vector<128x64xf32>
    %dot_general3A_254 = arith.constant dense<0.000000e+00> : vector<128x64xf32>
    %dot_general3A_255 = tpu.matmul %concatenate3A, %get3A_253, %dot_general3A_254 {dimension_numbers = #tpu.dot_dimension_numbers<[1], [0], [0], [1], [0, 0, 1, 1], [], []>, transpose_lhs_hint = false} : vector<128x128xf32>, vector<128x64xf32>, vector<128x64xf32> -> vector<128x64xf32>
    %get3A_256 = arith.constant 0 : index
    %get3A_257 = arith.constant 0 : index
    %get3A_258 = vector.load %arg10[%get3A_256, %get3A_257] : memref<1x64xf32, #tpu.memory_space<vmem>>, vector<1x64xf32>
    %add3A_259 = vector.broadcast %get3A_258 : vector<1x64xf32> to vector<128x64xf32>
    %add3A_260 = arith.addf %dot_general3A_255, %add3A_259 : vector<128x64xf32>
    %max3A_261 = arith.constant 0.000000e+00 : f32
    %max3A_262 = vector.broadcast %max3A_261 : f32 to vector<128x64xf32>
    %max3A_263 = arith.maximumf %add3A_260, %max3A_262 : vector<128x64xf32>
    %get3A_264 = arith.constant 0 : index
    %get3A_265 = arith.constant 0 : index
    %get3A_266 = vector.load %arg11[%get3A_264, %get3A_265] : memref<64x64xf32, #tpu.memory_space<vmem>>, vector<64x64xf32>
    %dot_general3A_267 = arith.constant dense<0.000000e+00> : vector<128x64xf32>
    %dot_general3A_268 = tpu.matmul %max3A_263, %get3A_266, %dot_general3A_267 {dimension_numbers = #tpu.dot_dimension_numbers<[1], [0], [0], [1], [0, 0, 1, 1], [], []>, transpose_lhs_hint = false} : vector<128x64xf32>, vector<64x64xf32>, vector<128x64xf32> -> vector<128x64xf32>
    %get3A_269 = arith.constant 0 : index
    %get3A_270 = arith.constant 0 : index
    %get3A_271 = vector.load %arg12[%get3A_269, %get3A_270] : memref<1x64xf32, #tpu.memory_space<vmem>>, vector<1x64xf32>
    %add3A_272 = vector.broadcast %get3A_271 : vector<1x64xf32> to vector<128x64xf32>
    %add3A_273 = arith.addf %dot_general3A_268, %add3A_272 : vector<128x64xf32>
    %max3A_274 = arith.constant 0.000000e+00 : f32
    %max3A_275 = vector.broadcast %max3A_274 : f32 to vector<128x64xf32>
    %max3A_276 = arith.maximumf %add3A_273, %max3A_275 : vector<128x64xf32>
    %get3A_277 = arith.constant 0 : index
    %get3A_278 = arith.constant 0 : index
    %get3A_279 = vector.load %arg13[%get3A_277, %get3A_278] : memref<64x32xf32, #tpu.memory_space<vmem>>, vector<64x32xf32>
    %dot_general3A_280 = arith.constant dense<0.000000e+00> : vector<128x32xf32>
    %dot_general3A_281 = tpu.matmul %max3A_276, %get3A_279, %dot_general3A_280 {dimension_numbers = #tpu.dot_dimension_numbers<[1], [0], [0], [1], [0, 0, 1, 1], [], []>, transpose_lhs_hint = false} : vector<128x64xf32>, vector<64x32xf32>, vector<128x32xf32> -> vector<128x32xf32>
    %get3A_282 = arith.constant 0 : index
    %get3A_283 = arith.constant 0 : index
    %get3A_284 = vector.load %arg14[%get3A_282, %get3A_283] : memref<1x32xf32, #tpu.memory_space<vmem>>, vector<1x32xf32>
    %add3A_285 = vector.broadcast %get3A_284 : vector<1x32xf32> to vector<128x32xf32>
    %add3A_286 = arith.addf %dot_general3A_281, %add3A_285 : vector<128x32xf32>
    %reduce_max3A = arith.constant dense<0xFF800000> : vector<128xf32>
    %reduce_max3A_287 = vector.multi_reduction <maximumf>, %add3A_286, %reduce_max3A [1] : vector<128x32xf32> to vector<128xf32>
    %broadcast_in_dim3A_288 = vector.shape_cast %reduce_max3A_287 : vector<128xf32> to vector<128x1xf32>
    %sub3A = vector.broadcast %broadcast_in_dim3A_288 : vector<128x1xf32> to vector<128x32xf32>
    %sub3A_289 = arith.subf %add3A_286, %sub3A : vector<128x32xf32>
    %exp3A = math.exp %sub3A_289 : vector<128x32xf32>
    %reduce_sum3A = arith.constant dense<0.000000e+00> : vector<128xf32>
    %reduce_sum3A_290 = vector.multi_reduction <add>, %exp3A, %reduce_sum3A [1] : vector<128x32xf32> to vector<128xf32>
    %broadcast_in_dim3A_291 = vector.shape_cast %reduce_sum3A_290 : vector<128xf32> to vector<128x1xf32>
    %log3A = math.log %broadcast_in_dim3A_291 : vector<128x1xf32>
    %neg3A = arith.constant 0.000000e+00 : f32
    %neg3A_292 = vector.broadcast %neg3A : f32 to vector<128x1xf32>
    %neg3A_293 = arith.subf %neg3A_292, %log3A : vector<128x1xf32>
    %swap3A = arith.constant 0 : index
    %swap3A_294 = arith.constant 0 : index
    %swap3A_295 = vector.load %arg16[%swap3A, %swap3A_294] : memref<128x1xf32, #tpu.memory_space<vmem>>, vector<128x1xf32>
    tpu.vector_store %arg16[%swap3A, %swap3A_294], %neg3A_293 {strides = array<i32>} : memref<128x1xf32, #tpu.memory_space<vmem>>, vector<128x1xf32>,
    %iota3A = tpu.iota {dimensions = array<i32: 1>} : vector<128x32xi32>
    %eq3A_296 = vector.broadcast %broadcast_in_dim3A_288 : vector<128x1xf32> to vector<128x32xf32>
    %eq3A_297 = arith.cmpf oeq, %add3A_286, %eq3A_296 : vector<128x32xf32>
    %jit3A_298 = arith.constant 32 : i32
    %broadcast_in_dim3A_299 = vector.broadcast %jit3A_298 : i32 to vector<128x32xi32>
    %select_n3A_300 = arith.select %eq3A_297, %iota3A, %broadcast_in_dim3A_299 : vector<128x32xi1>, vector<128x32xi32>
    %reduce_min3A = arith.constant dense<2147483647> : vector<128xi32>
    %reduce_min3A_301 = vector.multi_reduction <minsi>, %select_n3A_300, %reduce_min3A [1] : vector<128x32xi32> to vector<128xi32>
    %broadcast_in_dim3A_302 = vector.shape_cast %reduce_min3A_301 : vector<128xi32> to vector<128x1xi32>
    %swap3A_303 = arith.constant 0 : index
    %swap3A_304 = arith.constant 0 : index
    %swap3A_305 = vector.load %arg15[%swap3A_303, %swap3A_304] : memref<128x1xi32, #tpu.memory_space<vmem>>, vector<128x1xi32>
    tpu.vector_store %arg15[%swap3A_303, %swap3A_304], %broadcast_in_dim3A_302 {strides = array<i32>} : memref<128x1xi32, #tpu.memory_space<vmem>>, vector<128x1xi32>,
    return
  }
  func.func @transform_0(%arg0: i32) -> (i32, i32) {
    %c0_i32 = arith.constant 0 : i32
    %c0_i32_0 = arith.constant 0 : i32
    return %arg0, %c0_i32 : i32, i32
  }
  func.func @transform_1(%arg0: i32) -> (i32, i32) {
    %c0_i32 = arith.constant 0 : i32
    %c0_i32_0 = arith.constant 0 : i32
    return %arg0, %c0_i32 : i32, i32
  }
  func.func @transform_2(%arg0: i32) -> (i32, i32) {
    %c0_i32 = arith.constant 0 : i32
    %c0_i32_0 = arith.constant 0 : i32
    return %arg0, %c0_i32 : i32, i32
  }
  func.func @transform_3(%arg0: i32) -> (i32, i32) {
    %c0_i32 = arith.constant 0 : i32
    %c0_i32_0 = arith.constant 0 : i32
    return %arg0, %c0_i32 : i32, i32
  }
  func.func @transform_4(%arg0: i32) -> (i32, i32) {
    %c0_i32 = arith.constant 0 : i32
    %c0_i32_0 = arith.constant 0 : i32
    %c0_i32_1 = arith.constant 0 : i32
    return %c0_i32, %c0_i32_0 : i32, i32
  }
  func.func @transform_5(%arg0: i32) -> (i32, i32) {
    %c0_i32 = arith.constant 0 : i32
    %c0_i32_0 = arith.constant 0 : i32
    %c0_i32_1 = arith.constant 0 : i32
    return %c0_i32, %c0_i32_0 : i32, i32
  }
  func.func @transform_6(%arg0: i32) -> (i32, i32) {
    %c0_i32 = arith.constant 0 : i32
    %c0_i32_0 = arith.constant 0 : i32
    %c0_i32_1 = arith.constant 0 : i32
    return %c0_i32, %c0_i32_0 : i32, i32
  }
  func.func @transform_7(%arg0: i32) -> (i32, i32) {
    %c0_i32 = arith.constant 0 : i32
    %c0_i32_0 = arith.constant 0 : i32
    %c0_i32_1 = arith.constant 0 : i32
    return %c0_i32, %c0_i32_0 : i32, i32
  }
  func.func @transform_8(%arg0: i32) -> (i32, i32) {
    %c0_i32 = arith.constant 0 : i32
    %c0_i32_0 = arith.constant 0 : i32
    %c0_i32_1 = arith.constant 0 : i32
    return %c0_i32, %c0_i32_0 : i32, i32
  }
  func.func @transform_9(%arg0: i32) -> (i32, i32) {
    %c0_i32 = arith.constant 0 : i32
    %c0_i32_0 = arith.constant 0 : i32
    %c0_i32_1 = arith.constant 0 : i32
    return %c0_i32, %c0_i32_0 : i32, i32
  }
  func.func @transform_10(%arg0: i32) -> (i32, i32) {
    %c0_i32 = arith.constant 0 : i32
    %c0_i32_0 = arith.constant 0 : i32
    %c0_i32_1 = arith.constant 0 : i32
    return %c0_i32, %c0_i32_0 : i32, i32
  }
  func.func @transform_11(%arg0: i32) -> (i32, i32) {
    %c0_i32 = arith.constant 0 : i32
    %c0_i32_0 = arith.constant 0 : i32
    %c0_i32_1 = arith.constant 0 : i32
    return %c0_i32, %c0_i32_0 : i32, i32
  }
  func.func @transform_12(%arg0: i32) -> (i32, i32) {
    %c0_i32 = arith.constant 0 : i32
    %c0_i32_0 = arith.constant 0 : i32
    %c0_i32_1 = arith.constant 0 : i32
    return %c0_i32, %c0_i32_0 : i32, i32
  }
  func.func @transform_13(%arg0: i32) -> (i32, i32) {
    %c0_i32 = arith.constant 0 : i32
    %c0_i32_0 = arith.constant 0 : i32
    %c0_i32_1 = arith.constant 0 : i32
    return %c0_i32, %c0_i32_0 : i32, i32
  }
  func.func @transform_14(%arg0: i32) -> (i32, i32) {
    %c0_i32 = arith.constant 0 : i32
    %c0_i32_0 = arith.constant 0 : i32
    return %arg0, %c0_i32 : i32, i32
  }
  func.func @transform_15(%arg0: i32) -> (i32, i32) {
    %c0_i32 = arith.constant 0 : i32
    %c0_i32_0 = arith.constant 0 : i32
    return %arg0, %c0_i32 : i32, i32
  }
}

</mosaic_0001>

<sc_bundles>
// kernel: kernel.4.cloned.1.call-start
scs
__scs_entry_jumppad:
0x0: {  	(pc) =	sbr.rel $0x88, $3  }
0x1: {  	(tag) =	ssettag $0x0;
	lr =	simm.s32 $0x1  }
0x2: {  	[smem:$0x3F92] =	sst lr;
	_ =	strace $0xD0000000  }
0x3: {  	_ = 	snop  }
0x4: {  	_ = 	snop  }
0x5: {  	_ = 	snop  }
0x6: {  	_ = 	snop  }
0x7: {  	_ = 	snop  }
__scs_overlays_trampoline_lowered:
0x8: {  	[smem:$0x3FA1] =	sst s0  }
0x9: {  	[smem:$0x3FA2] =	sst s1  }
0xa: {  	[smem:$0x3FA3] =	sst s2  }
0xb: {  	[smem:$0x3FA4] =	sst s3  }
0xc: {  	[smem:$0x3FA5] =	sst s4  }
0xd: {  	[smem:$0x3FA6] =	sst s5  }
0xe: {  	[smem:$0x3FA7] =	sst s6  }
0xf: {  	[smem:$0x3FA8] =	sst s7  }
0x10: {  	[smem:$0x3FA9] =	sst s8  }
0x11: {  	[smem:$0x3FAA] =	sst s9;
	s0 =	simm.s32 @!p0 $0x0  }
0x12: {  	s1 =	sld [smem:$0x3F90];
	s0 =	simm.s32 @p0 $0x1  }
0x13: {  	[smem:$0x3FAB] =	sst s0;
	s0 =	simm.s32 @!p1 $0x0  }
0x14: {  	s2 =	sld [smem:$0x3F8F];
	s0 =	simm.s32 @p1 $0x1  }
0x15: {  	[smem:$0x3FAC] =	sst s0;
	s0 =	simm.s32 @!p2 $0x0  }
0x16: {  	s3 =	sld [smem:$0x3FDB];
	s0 =	simm.s32 @p2 $0x1  }
0x17: {  	s4 =	simm.s32 $0x1BF5;
	[smem:$0x3FAE] =	sst s0  }
0x18: {  	s0 =	sld [smem:$0x3F91];
	_ =	swait.ge [sflag:s4], $0x0  }
0x19: {  	s7 =	sld [smem:$0x3F92]  }
0x1a: {  	s8 =	sadd.s32 $0xFFFFE003, lr  }
0x1b: {  	s9 =	sadd.s32 $0xFFFFFEF7, lr;
	s5 =	simm.s32 $0xFFFFFFFF;
	p2 =	slt.u32 s8, $0xFFFFF086  }
0x1c: {  	p1 =	slt.u32 s9, $0xF7A;
	s5 =	simm.s32 @!p2 $0x0  }
0x1d: {  	s5 =	simm.s32 @p1 $0x1;
	p0 =	seq.s32 s7, s2  }
0x1e: {  	s7 =	smul.u32 @!p0 $0xF7A, s2;
	p2 =	seq.s32 @!p0 s5, $0x0  }
0x1f: {  	s9 =	smul.u32 $0xF7A, s1;
	s8 =	simm.s32 @!p0 $0x1BF5;
	p2 =	por !p2, p0  }
0x20: {  	[sflag:s8] =	ssyncset.s32 @!p0 $0xFFFFF086;
	s6 =	sadd.s32 @!p0 s3, s7;
	s7 =	simm.s32 @!p0 $0x108  }
0x21: {  	s3 =	sadd.s32 s3, s9;
	s6 =	sadd.s32 @!p0 $0x88, s6;
	s7 =	simm.s32 @p2 $0x1082  }
0x22: {  	[simem:s7], [sflag:s8] =	dma.local @!p0 [hbm:s6], $0xF7A  }
0x23: {  	s9 =	sor.u32 $0xD0000000, s2;
	s6 =	simm.s32 $0x108;
	_ =	swait.ge @!p0 [sflag:s8], $0x0  }
0x24: {  	s3 =	sadd.s32 $0x88, s3;
	s6 =	simm.s32 @!p1 $0x1082;
	[sflag:s4] =	ssyncset.s32 $0xFFFFF086  }
0x25: {  	[simem:s6], [sflag:s4] =	dma.local [hbm:s3], $0xF7A  }
0x26: {  	[smem:$0x3F92] =	sst s1;
	(tag) =	ssettag s2;
	_ =	strace s9  }
0x27: {  	s1 =	sld [smem:$0x3FA2]  }
0x28: {  	s2 =	sld [smem:$0x3FA3]  }
0x29: {  	s4 =	sld [smem:$0x3FA5]  }
0x2a: {  	p0 =	seq.s32 s5, $0x0;
	s5 =	sld [smem:$0x3FA6]  }
0x2b: {  	s6 =	sld [smem:$0x3FA7]  }
0x2c: {  	s7 =	sld [smem:$0x3FA8]  }
0x2d: {  	s3 =	simm.s32 $0x108;
	s8 =	sld [smem:$0x3FA9]  }
0x2e: {  	s3 =	simm.s32 @!p0 $0x1082;
	s9 =	sld [smem:$0x3FAA]  }
0x2f: {  	lr =	sadd.s32 s0, s3;
	s0 =	sld [smem:$0x3FA1]  }
0x30: {  	s3 =	sld [smem:$0x3FA4]  }
0x31: {  	[smem:$0x3FAD] =	sst s10  }
0x32: {  	s10 =	sld [smem:$0x3FAB];
	_ =	sdelay $0x3  }
0x33: {  	p0 =	seq.s32 s10, $0x1;
	s10 =	sld [smem:$0x3FAD];
	_ =	sdelay $0x3  }
0x34: {  	[smem:$0x3FAD] =	sst s10  }
0x35: {  	s10 =	sld [smem:$0x3FAC];
	_ =	sdelay $0x3  }
0x36: {  	p1 =	seq.s32 s10, $0x1;
	s10 =	sld [smem:$0x3FAD];
	_ =	sdelay $0x3  }
0x37: {  	[smem:$0x3FAD] =	sst s10  }
0x38: {  	s10 =	sld [smem:$0x3FAE]  }
0x39: {  	_ = 	snop;
	(pc) =	sbr.ind lr, $3  }
0x3a: {  	_ = 	snop  }
0x3b: {  	_ = 	snop  }
0x3c: {  	p2 =	seq.s32 s10, $0x1;
	s10 =	sld [smem:$0x3FAD]  }
0x3d: {  	_ =	shalt  }
0x3e: {  	_ =	shalt  }
0x3f: {  	_ =	shalt  }
0x40: {  	_ =	shalt  }
0x41: {  	_ =	shalt  }
0x42: {  	_ =	shalt  }
0x43: {  	_ =	shalt  }
0x44: {  	_ =	shalt  }
0x45: {  	_ =	shalt  }
0x46: {  	_ =	shalt  }
0x47: {  	_ =	shalt  }
0x48: {  	_ =	shalt  }
0x49: {  	_ =	shalt  }
0x4a: {  	_ =	shalt  }
0x4b: {  	_ =	shalt  }
0x4c: {  	_ =	shalt  }
0x4d: {  	_ =	shalt  }
0x4e: {  	_ =	shalt  }
0x4f: {  	_ =	shalt  }
0x50: {  	_ =	shalt  }
0x51: {  	_ =	shalt  }
0x52: {  	_ =	shalt  }
0x53: {  	_ =	shalt  }
0x54: {  	_ =	shalt  }
0x55: {  	_ =	shalt  }
0x56: {  	_ =	shalt  }
0x57: {  	_ =	shalt  }
0x58: {  	_ =	shalt  }
0x59: {  	_ =	shalt  }
0x5a: {  	_ =	shalt  }
0x5b: {  	_ =	shalt  }
0x5c: {  	_ =	shalt  }
0x5d: {  	_ =	shalt  }
0x5e: {  	_ =	shalt  }
0x5f: {  	_ =	shalt  }
0x60: {  	_ =	shalt  }
0x61: {  	_ =	shalt  }
0x62: {  	_ =	shalt  }
0x63: {  	_ =	shalt  }
0x64: {  	_ =	shalt  }
0x65: {  	_ =	shalt  }
0x66: {  	_ =	shalt  }
0x67: {  	_ =	shalt  }
0x68: {  	_ =	shalt  }
0x69: {  	_ =	shalt  }
0x6a: {  	_ =	shalt  }
0x6b: {  	_ =	shalt  }
0x6c: {  	_ =	shalt  }
0x6d: {  	_ =	shalt  }
0x6e: {  	_ =	shalt  }
0x6f: {  	_ =	shalt  }
0x70: {  	_ =	shalt  }
0x71: {  	_ =	shalt  }
0x72: {  	_ =	shalt  }
0x73: {  	_ =	shalt  }
0x74: {  	_ =	shalt  }
0x75: {  	_ =	shalt  }
0x76: {  	_ =	shalt  }
0x77: {  	_ =	shalt  }
0x78: {  	_ =	shalt  }
0x79: {  	_ =	shalt  }
0x7a: {  	_ =	shalt  }
0x7b: {  	_ =	shalt  }
0x7c: {  	_ =	shalt  }
0x7d: {  	_ =	shalt  }
0x7e: {  	_ =	shalt  }
0x7f: {  	_ =	shalt  }
0x80: {  	_ =	shalt  }
0x81: {  	_ =	shalt  }
0x82: {  	_ =	shalt  }
0x83: {  	_ =	shalt  }
0x84: {  	_ =	shalt  }
0x85: {  	_ =	shalt  }
0x86: {  	_ =	shalt  }
0x87: {  	_ =	shalt  }
.Lfunc_end0:
.L_simem_size_0:
called_computation_lowered:
.L_overlay_start_0:
0x88: {  	s2 =	sld [smem:$0x3FD9]  }
0x89: {  	s3 =	sld [smem:$0x3FFE];
	_ =	sdelay $0x1  }
0x8a: {  	s1 =	srdreg.scid  }
0x8b: {  	s0 =	sand.u32 $0x1, s1  }
0x8c: {  	s17 =	sshll.u32 s0, $0xA;
	s2 =	sadd.s32 s3, s2  }
0x8d: {  	s2 =	sadd.s32 s2, s17  }
0x8e: {  	[smem:$0x3FB9] =	sst s2  }
0x8f: {  	_ = 	snop  }
0x90: {  	s2 =	sld [smem:$0x3FC6];
	(tm) =	ssettm $0x1  }
0x91: {  	s18 =	sld [smem:$0x3FFB];
	_ =	sdelay $0x3  }
0x92: {  	_ =	strace s18  }
0x93: {  	s3 =	sld [smem:$0x3FFC];
	_ =	sdelay $0x3  }
0x94: {  	_ =	strace s3  }
0x95: {  	s3 =	sld [smem:$0x3FFD];
	_ =	sdelay $0x3  }
0x96: {  	_ =	strace s3  }
0x97: {  	_ =	strace $0x8FFFFFFF  }
0x98: {  	s19 =	sld [smem:$0x3FDB];
	_ =	sdelay $0x1  }
0x99: {  	s4 =	simm.s32 $_scs_section_size  }
0x9a: {  	s5 =	simm.s32 $_size__tile_overlayer_lowered;
	s6 =	simm.s32 $_tile_overlayer_lowered  }
0x9b: {  	s22 =	simm.s32 $0x1BFF;
	s21 =	sshll.u32 s6, $0x1;
	s3 =	sadd.s32 s4, s19  }
0x9c: {  	s7 =	simm.s32 $0x0;
	s20 =	sshll.u32 s5, $0x1;
	s5 =	sadd.s32 s21, s3  }
0x9d: {  	[timem:s7], [sflag:s22] =	dma.local [hbm:s5], s20  }
0x9e: {  	_ =	swait.ge [sflag:s22], s20  }
0x9f: {  	s4 =	ssub.s32 $0x0, s20;
	[sflag:s22] =	ssyncset.done $0x0  }
0xa0: {  	[sflag:s22] =	ssyncadd.s32 s4;
	_ =	sdelay $0x1  }
0xa1: {  	s23 =	simm.s32 $0x1B8B  }
0xa2: {  	_ =	swait.ge [sflag:s23], $0x1  }
0xa3: {  	[sflag:s23] =	ssyncset.done $0x0  }
0xa4: {  	s25 =	simm.s32 $0x1B8E;
	s24 =	sld [smem:$0x3FFE];
	[sflag:s23] =	ssyncadd.s32 $0xFFFFFFFF  }
0xa5: {  	s26 =	simm.s32 $execute0_lowered;
	[smem:$0x3FD2] =	sst s25  }
0xa6: {  	s5 =	sshll.u32 s26, $0x1;
	_ =	strace $0x80000046;
	[dreg:$0x1] =	wrdreg $0xFFFFFFFF  }
0xa7: {  	s28 =	simm.s32 $_size_execute0_lowered;
	s3 =	sadd.s32 s3, s5;
	[dreg:$0x0] =	wrdreg $0x0  }
0xa8: {  	s5 =	sshll.u32 s28, $0x1;
	[dreg:$0x2] =	wrdreg s3  }
0xa9: {  	[dreg:$0x3] =	wrdreg s5  }
0xaa: {  	[dreg:$0x4] =	wrdreg $0xC0  }
0xab: {  	_ =	task [dreg:s7], $0x5FFFF  }
0xac: {  	[dreg:$0x1] =	wrdreg $0xFFFFFFFF  }
0xad: {  	[dreg:$0x0] =	wrdreg $0x60  }
0xae: {  	[dreg:$0x2] =	wrdreg s24  }
0xaf: {  	[dreg:$0x3] =	wrdreg s2  }
0xb0: {  	[dreg:$0x4] =	wrdreg $0x9  }
0xb1: {  	_ =	task.clear_ibuf [dreg:s7], $0x5FFFF;
	_ =	strace $0x90000046  }
0xb2: {  	s29 =	simm.s32 $0x9;
	_ =	strace $0x80000048  }
0xb3: {  	_ =	swait.ge [sflag:s29], $0x1  }
0xb4: {  	[sflag:s29] =	ssyncadd.s32 $0xFFFFFFFF  }
0xb5: {  	_ =	strace $0x90000048  }
0xb6: {  	_ =	sfence  }
0xb7: {  	s30 =	sld [smem:$0x0];
	_ =	sdelay $0x2  }
0xb8: {  	s31 =	sshll.u32 s1, $0xD;
	s1 =	sshrl.u32 s1, $0x2  }
0xb9: {  	s3 =	sand.u32 $0x4000, s31;
	s1 =	sadd.s32 s1, s30  }
0xba: {  	s0 =	sor.u32 s3, s0;
	s1 =	sshll.u32 s1, $0x11  }
0xbb: {  	s0 =	sor.u32 s1, s0  }
0xbc: {  	s0 =	sadd.s32 $0x8F2B, s0  }
0xbd: {  	[sflag:s0] =	ssyncadd.remote.s32 $0x1  }
0xbe: {  	_ =	sfence.sel $0xFFFF  }
0xbf: {  	[dreg:$0x0] =	wrdreg $0xFFFFFFFF;
	(pc) =	sbr.abs _section_cstart, $3  }
0xc0: {  	[dreg:$0x1] =	wrdreg $0xFFFFFFFF  }
0xc1: {  	_ =	task.clear_ibuf [dreg:s7], $0x2FFFF;
	_ =	strace $0x9FFFFFFF  }
0xc2: {  	(tm) =	ssettm $0x7FFFFFFF  }
0xc3: {  	_ =	shalt  }
tec
execute0_lowered:
.L_overlay_start_1:
0x0: {  	(tag) =	ssettag $0x1  }
0x1: {  	s1 =	srdreg.scid  }
0x2: {  	s6 =	rddreg [dreg:$0x0];
	s0 =	stileid.u32;
	s5 =	sand.u32 $0x1, s1  }
0x3: {  	s3 =	rddreg [dreg:$0x1];
	s4 =	sshll.u32 s0, $0x8;
	s7 =	sshll.u32 s5, $0x7  }
0x4: {  	s2 =	simm.s32 $0x0;
	s1 =	rddreg [dreg:$0x2];
	s7 =	sor.u32 s7, s4  }
0x5: {  	[smem:$0x7FF] =	sst s2;
	s4 =	sshrl.u32 s7, $0x3  }
0x6: {  	_ =	strace $0x80000047;
	s4 =	sadd.s32 s3, s4;
	s3 =	simm.s32 $0x2  }
0x7: {  	[tilespmem:s2], [sflag:$0x2] =	stream.linear.gather [hbm4b:s4+s2], $0x80, $0x38;
	[tilespmem:$0x4100] =	vst v63  }
0x8: {  	_ =	swait.ge [sflag:s3], $0x80  }
0x9: {  	[sflag:s3] =	ssyncset.done $0x0  }
0xa: {  	[sflag:s3] =	ssyncadd.s32 $0xFFFFFF80  }
0xb: {  	v0 =	vlaneseq.u32;
	v1 =	vmov s7;
	s8 =	sor.u32 $0x10, s7;
	v5 =	vld [tilespmem:$0x50]  }
0xc: {  	v7 =	vmul.u32 $0x20, v0;
	s25 =	sor.u32 $0x20, s7;
	s26 =	sor.u32 $0x30, s7;
	s28 =	sor.u32 $0x50, s7;
	v0 =	vshll.u32 v1, $0x5;
	v1 =	vmov s8;
	v6 =	vld [tilespmem:$0x30]  }
0xd: {  	s9 =	sor.u32 $0x40, s7;
	s29 =	sor.u32 $0x60, s7;
	v2 =	vmov s25;
	v3 =	vmov s26;
	v4 =	vmov s28;
	v8 =	vld [tilespmem:$0x20]  }
0xe: {  	v10 =	vmov s9;
	v14 =	vmov s29;
	v0 =	vor.u32 v7, v0;
	v9 =	vld [tilespmem:$0x10]  }
0xf: {  	s5 =	ssub.s32 $0x2, s5;
	v1 =	vshll.u32 v1, $0x5;
	v2 =	vshll.u32 v2, $0x5;
	v3 =	vshll.u32 v3, $0x5;
	v11 =	vld [tilespmem:$0x40]  }
0x10: {  	s30 =	sshrl.u32 s5, $0x1;
	v4 =	vshll.u32 v4, $0x5;
	v10 =	vshll.u32 v10, $0x5;
	v14 =	vshll.u32 v14, $0x5;
	v12 =	vld [tilespmem:$0x0]  }
0x11: {  	s8 =	ssub.s32 s5, s30;
	v3 =	vor.u32 v7, v3;
	v4 =	vor.u32 v7, v4;
	v13 =	vshrl.u32 v5, $0x1  }
0x12: {  	s10 =	smax.u32 s8, $0x1;
	v63 =	vld [tilespmem:$0x60];
	v5 =	vor.u32 v7, v10;
	v6 =	vshrl.u32 v6, $0x1;
	v10 =	vadd.s32 v4, v13  }
0x13: {  	v2 =	vor.u32 v7, v2;
	p0 =	sne.s32 s10, $0x1;
	v8 =	vshrl.u32 v8, $0x1;
	v6 =	vadd.s32 v3, v6;
	[tilespmem:$0xD0] =	vst v10;
	v10 =	vld [tilespmem:$0x70]  }
.Ltmp0:
0x14: {  	v1 =	vor.u32 v7, v1;
	v9 =	vshrl.u32 v9, $0x1;
	v8 =	vadd.s32 v2, v8;
	[tilespmem:$0xB0] =	vst v6;
	(pc) =	sbr.rel @!p0 .LBB2_2-.Ltmp0, $4  }
0x15: {  	s31 =	sshll.u32 s7, $0x4;
	s7 =	sor.u32 $0x70, s7;
	v12 =	vshrl.u32 v12, $0x1;
	v9 =	vadd.s32 v1, v9;
	[tilespmem:$0xA0] =	vst v8;
	v8 =	vshrl.u32 v11, $0x1  }
0x16: {  	s5 =	sadd.s32 $0x402400, s6;
	s6 =	sadd.s32 s31, s6;
	v6 =	vor.u32 v7, v14;
	v11 =	vmov s7;
	[tilespmem:$0x90] =	vst v9;
	v8 =	vadd.s32 v5, v8  }
0x17: {  	s9 =	simm.s32 $0x1;
	s6 =	sadd.s32 $0x2400, s6;
	v9 =	vshll.u32 v11, $0x5;
	v11 =	vadd.s32 v0, v12;
	[tilespmem:$0xC0] =	vst v8;
	v8 =	vshrl.u32 v63, $0x1  }
0x18: {  	s8 =	simm.s32 $0x100;
	s10 =	sadd.s32 $0xFFFFFFFF, s10;
	s7 =	simm.s32 $0x80;
	v7 =	vor.u32 v7, v9;
	[tilespmem:$0x80] =	vst v11;
	v8 =	vadd.s32 v6, v8;
	v9 =	vshrl.u32 v10, $0x1  }
.LBB2_1:
0x19: {  	p0 =	sne.s32 s10, $0x1;
	s10 =	sadd.s32 $0xFFFFFFFF, s10;
	[tilespmem:$0xE0] =	vst v8;
	v8 =	vadd.s32 v7, v9  }
0x1a: {  	[tilespmem:$0xF0] =	vst v8  }
0x1b: {  	[tilespmem:s8], [sflag:$0x1] =	stream.indirect.gather [hbm4b:s5+s7], $0x80, s7, s7, $0xb8;
	[tilespmem:$0x4100] =	vst v63  }
0x1c: {  	_ =	swait.ge [sflag:s9], $0x4000  }
0x1d: {  	[sflag:s9] =	ssyncset.done $0x0  }
0x1e: {  	[sflag:s9] =	ssyncadd.s32 $0xFFFFC000  }
0x1f: {  	[hbm4b:s6+s2] =	stream.linear.scatter [tilespmem:s8], [sflag:$0x2], $0x4000, $0x38;
	[tilespmem:$0x4100] =	vst v63  }
0x20: {  	_ =	swait.ge [sflag:s3], $0x4000  }
0x21: {  	[sflag:s3] =	ssyncset.done $0x0  }
0x22: {  	[sflag:s3] =	ssyncadd.s32 $0xFFFFC000  }
0x23: {  	[tilespmem:s2], [sflag:$0x2] =	stream.linear.gather [hbm4b:s4+s2], $0x80, $0x38;
	[tilespmem:$0x4100] =	vst v63  }
0x24: {  	_ =	swait.ge [sflag:s3], $0x80  }
0x25: {  	[sflag:s3] =	ssyncset.done $0x0  }
0x26: {  	[sflag:s3] =	ssyncadd.s32 $0xFFFFFF80  }
0x27: {  	v8 =	vld [tilespmem:$0x50]  }
0x28: {  	v9 =	vld [tilespmem:$0x30]  }
0x29: {  	v10 =	vld [tilespmem:$0x20]  }
0x2a: {  	v11 =	vld [tilespmem:$0x10]  }
0x2b: {  	v12 =	vld [tilespmem:$0x40]  }
0x2c: {  	v13 =	vld [tilespmem:$0x0];
	v8 =	vshrl.u32 v8, $0x1  }
0x2d: {  	v9 =	vshrl.u32 v9, $0x1;
	v8 =	vadd.s32 v4, v8;
	v14 =	vld [tilespmem:$0x60]  }
0x2e: {  	v10 =	vshrl.u32 v10, $0x1;
	v9 =	vadd.s32 v3, v9;
	[tilespmem:$0xD0] =	vst v8;
	v15 =	vld [tilespmem:$0x70]  }
.Ltmp1:
0x2f: {  	v8 =	vshrl.u32 v11, $0x1;
	v10 =	vadd.s32 v2, v10;
	[tilespmem:$0xB0] =	vst v9;
	(pc) =	sbr.rel @p0 .LBB2_1-.Ltmp1, $4  }
0x30: {  	v8 =	vadd.s32 v1, v8;
	[tilespmem:$0xA0] =	vst v10;
	v9 =	vshrl.u32 v12, $0x1  }
0x31: {  	v10 =	vshrl.u32 v13, $0x1;
	[tilespmem:$0x90] =	vst v8;
	v8 =	vadd.s32 v5, v9  }
0x32: {  	v9 =	vadd.s32 v0, v10;
	[tilespmem:$0xC0] =	vst v8;
	v8 =	vshrl.u32 v14, $0x1  }
0x33: {  	[tilespmem:$0x80] =	vst v9;
	v8 =	vadd.s32 v6, v8;
	v9 =	vshrl.u32 v15, $0x1  }
.LBB2_2:
0x34: {  	[tilespmem:$0xE0] =	vst v8;
	v0 =	vadd.s32 v7, v9  }
0x35: {  	[tilespmem:$0xF0] =	vst v0  }
0x36: {  	[tilespmem:s8], [sflag:$0x1] =	stream.indirect.gather [hbm4b:s5+s7], $0x80, s7, s7, $0xb8;
	[tilespmem:$0x4100] =	vst v63  }
0x37: {  	_ =	swait.ge [sflag:s9], $0x4000  }
0x38: {  	[sflag:s9] =	ssyncset.done $0x0  }
0x39: {  	[sflag:s9] =	ssyncadd.s32 $0xFFFFC000  }
0x3a: {  	[hbm4b:s6+s2] =	stream.linear.scatter [tilespmem:s8], [sflag:$0x2], $0x4000, $0x38;
	[tilespmem:$0x4100] =	vst v63  }
0x3b: {  	_ =	swait.ge [sflag:s3], $0x4000  }
0x3c: {  	[sflag:s3] =	ssyncset.done $0x0  }
0x3d: {  	[sflag:s3] =	ssyncadd.s32 $0xFFFFC000  }
0x3e: {  	_ =	sfence.sel $0x180000  }
0x3f: {  	[bflag:$0x0] =	sbarrier.arrive $0xFFFF  }
0x40: {  	p0 =	sne.s32 s0, $0x0;
	_ =	strace $0x90000047  }
0x41: {  	s0 =	sadd.s32 @!p0 $0x100000, s1;
	[bflag:$0x2] =	sbarrier.arrive $0xFFFF  }
0x42: {  	[sflag:s0] =	ssyncadd.tile.s32 @!p0 $0x1;
	_ =	shalt  }
.Lfunc_end2:
_tile_overlayer_lowered:
.L_overlay_start_2:
0x43: {  	(tag) =	ssettag $0x2  }
0x44: {  	s0 =	rddreg [dreg:$0x0];
	s2 =	stileid.u32  }
0x45: {  	s1 =	rddreg [dreg:$0x1];
	p0 =	sne.s32 s2, $0x0  }
0x46: {  	s3 =	rddreg [dreg:$0x2];
	[bflag:$0x3] =	sbarrier.arrive $0xFFFF;
	s2 =	simm.s32 @!p0 $0x1C02  }
0x47: {  	[timem:s3], [sflag:s2] =	dma.local @!p0 [hbm:s0], s1  }
0x48: {  	s0 =	simm.s32 @!p0 $0x2  }
0x49: {  	_ =	swait.ge @!p0 [sflag:s0], s1  }
0x4a: {  	s1 =	ssub.s32 @!p0 $0x0, s1;
	[sflag:s0] =	ssyncset.done @!p0 $0x0  }
0x4b: {  	[sflag:s0] =	ssyncadd.s32 @!p0 s1  }
0x4c: {  	[bflag:$0x3] =	sbarrier.arrive $0xFFFF  }
0x4d: {  	_ =	shalt  }

</sc_bundles>
